<compile_context>
chip_gen: v7x
topology: tpu7x:2x2x1
jax: 0.10.2.dev20260603
libtpu: 0.0.44.dev20260713+nightly
codegen_flags: <defaults>
</compile_context>

<pallas_src>
import functools

import jax
import jax.numpy as jnp
from jax.experimental import pallas as pl
from jax.experimental.pallas import tpu as pltpu
from jax.experimental.pallas import tpu_sc as plsc

HIDDEN = 256
HEADS = 4
DH = HIDDEN // HEADS
NUM_MEM = 8
B, Q, K = 2, 128, 256
N = B * Q
BN = 64
TPW = 8
KM = K * NUM_MEM


def _elu1(x):
    return jnp.where(x > 0, x + 1.0, jnp.exp(x))


def _gproj_kernel(qf_ref, kvf_ref, wc_ref, wg2_ref, condg_ref, kvg_ref):
    cond = jnp.dot(qf_ref[...], wc_ref[...], preferred_element_type=jnp.float32)
    condg_ref[...] = jnp.dot(cond, wg2_ref[...], preferred_element_type=jnp.float32)
    kvg_ref[...] = jnp.dot(kvf_ref[...], wg2_ref[...][:, :NUM_MEM],
                           preferred_element_type=jnp.float32)


_sc_mesh = plsc.VectorSubcoreMesh(core_axis_name="c", subcore_axis_name="s")


@functools.partial(
    pl.kernel,
    mesh=_sc_mesh,
    out_type=jax.ShapeDtypeStruct((N * KM,), jnp.float32),
    scratch_types=[
        pltpu.VMEM((TPW * 2 * NUM_MEM,), jnp.float32),
        pltpu.VMEM((KM,), jnp.float32),
        pltpu.VMEM((TPW * KM,), jnp.float32),
    ],
)
def _sc_router(condg_hbm, kvg_hbm, out_hbm, cg_v, kv_v, out_v):
    c = jax.lax.axis_index("c")
    s = jax.lax.axis_index("s")
    wid = s * 2 + c
    n0 = wid * TPW
    b = n0 // Q
    pltpu.sync_copy(condg_hbm.at[pl.ds(n0 * 2 * NUM_MEM, TPW * 2 * NUM_MEM)], cg_v)
    pltpu.sync_copy(kvg_hbm.at[pl.ds(b * KM, KM)], kv_v)

    def body(j, carry):
        kvc = kv_v[pl.ds(j * 16, 16)]
        for t in range(TPW):
            out_v[pl.ds(t * KM + j * 16, 16)] = kvc + cg_v[pl.ds(t * 16, 16)]
        return carry

    jax.lax.fori_loop(0, KM // 16, body, 0)
    pltpu.sync_copy(out_v, out_hbm.at[pl.ds(n0 * KM, TPW * KM)])


def _fused_kernel(qf_ref, kvf_ref, wc_ref, wq_ref, wk_ref, wv_ref, wg_ref,
                  wo_ref, gdep_ref, out_ref,
                  condk_s, condv_s, condg_s, phiq_s, kvk_s, kvv_s, kvgt_s):
    i = pl.program_id(0)
    del gdep_ref

    @pl.when(i == 0)
    def _projections():
        qf = qf_ref[...]
        kvf = kvf_ref[...]
        cond = jnp.dot(qf, wc_ref[...], preferred_element_type=jnp.float32)
        condk_s[...] = jnp.dot(cond, wk_ref[...], preferred_element_type=jnp.float32)
        condv_s[...] = jnp.dot(cond, wv_ref[...], preferred_element_type=jnp.float32)
        condg_s[...] = jnp.dot(cond, wg_ref[...], preferred_element_type=jnp.float32)
        last = jnp.concatenate(
            [jnp.broadcast_to(kvf[(b + 1) * K - 1:(b + 1) * K, :], (Q, HIDDEN))
             for b in range(B)], axis=0)
        phiq_s[...] = _elu1(jnp.dot(last + cond, wq_ref[...],
                                    preferred_element_type=jnp.float32))
        kvk_s[...] = jnp.dot(kvf, wk_ref[...], preferred_element_type=jnp.float32)
        kvv_s[...] = jnp.dot(kvf, wv_ref[...], preferred_element_type=jnp.float32)
        kvg = jnp.dot(kvf, wg_ref[...], preferred_element_type=jnp.float32)
        kvgt_s[...] = kvg.T

    t0 = i * BN
    b = t0 // Q
    condg = condg_s[pl.ds(t0, BN), :]
    kvgt = kvgt_s[:, pl.ds(b * K, K)]

    neg = jnp.float32(-jnp.inf)
    m1 = jnp.full((BN, K), neg, jnp.float32)
    m2 = jnp.full((BN, K), neg, jnp.float32)
    i1 = jnp.zeros((BN, K), jnp.float32)
    i2 = jnp.zeros((BN, K), jnp.float32)
    for e in range(NUM_MEM):
        v = kvgt[e:e + 1, :] + condg[:, e:e + 1]
        gt1 = v > m1
        gt2 = v > m2
        ef = jnp.float32(e)
        i2 = jnp.where(gt1, i1, jnp.where(gt2, ef, i2))
        m2 = jnp.where(gt1, m1, jnp.where(gt2, v, m2))
        i1 = jnp.where(gt1, ef, i1)
        m1 = jnp.where(gt1, v, m1)
    ex = jnp.exp(m2 - m1)
    g1 = 1.0 / (1.0 + ex)
    g2 = 1.0 - g1

    i1L = i1[:, K - 1:K]
    i2L = i2[:, K - 1:K]
    g1L = g1[:, K - 1:K]
    g2L = g2[:, K - 1:K]
    f32 = lambda c: c.astype(jnp.float32)
    g_dot = (g1L * (g1 * f32(i1 == i1L) + g2 * f32(i2 == i1L)) +
             g2L * (g1 * f32(i1 == i2L) + g2 * f32(i2 == i2L)))

    condk = condk_s[pl.ds(t0, BN), :]
    kvk = kvk_s[pl.ds(b * K, K), :]
    kvv = kvv_s[pl.ds(b * K, K), :]
    phiq = phiq_s[pl.ds(t0, BN), :]
    condv = condv_s[pl.ds(t0, BN), :]
    phik = _elu1(condk[:, None, :] + kvk[None, :, :])

    d_idx = jax.lax.broadcasted_iota(jnp.int32, (HIDDEN, HEADS), 0)
    h_idx = jax.lax.broadcasted_iota(jnp.int32, (HIDDEN, HEADS), 1)
    M = (d_idx // DH == h_idx).astype(jnp.float32)

    psi = (phik * phiq[:, None, :] * g_dot[:, :, None]).reshape(BN * K, HIDDEN)
    a_small = jnp.dot(psi, M, preferred_element_type=jnp.float32)
    wgt_exp = jnp.dot(a_small, M.T,
                      preferred_element_type=jnp.float32).reshape(BN, K, HIDDEN)
    den = jnp.sum(wgt_exp, axis=1)
    num = jnp.sum(wgt_exp * kvv[None, :, :], axis=1)
    out_attn = (num + den * condv) / (den + 1e-6)
    out_ref[...] = jnp.dot(out_attn, wo_ref[...],
                           preferred_element_type=jnp.float32)


@jax.jit
def _run(query, keyval, W_cond, W_q, W_k, W_v, W_g, W_o):
    D = HIDDEN
    qf = query.reshape(N, D)
    kvf = keyval.reshape(B * K, D)
    f32 = jnp.float32
    nblk = N // BN

    wg2 = jnp.concatenate([W_g, W_g], axis=1)
    condg2, kvg2 = pl.pallas_call(
        _gproj_kernel,
        out_shape=(
            jax.ShapeDtypeStruct((N, 2 * NUM_MEM), f32),
            jax.ShapeDtypeStruct((B * K, NUM_MEM), f32),
        ),
    )(qf, kvf, W_cond, wg2)

    router_flat = _sc_router(condg2.reshape(N * 2 * NUM_MEM),
                             kvg2.reshape(B * K * NUM_MEM))

    full = lambda *shape: pl.BlockSpec(shape, lambda i: tuple(0 for _ in shape))
    out = pl.pallas_call(
        _fused_kernel,
        grid=(nblk,),
        in_specs=[
            full(N, D),
            full(B * K, D),
            full(D, D),
            full(D, D),
            full(D, D),
            full(D, D),
            full(D, NUM_MEM),
            full(D, D),
            full(N, 2 * NUM_MEM),
        ],
        out_specs=pl.BlockSpec((BN, D), lambda i: (i, 0)),
        out_shape=jax.ShapeDtypeStruct((N, D), f32),
        scratch_shapes=[
            pltpu.VMEM((N, D), f32),
            pltpu.VMEM((N, D), f32),
            pltpu.VMEM((N, NUM_MEM), f32),
            pltpu.VMEM((N, D), f32),
            pltpu.VMEM((B * K, D), f32),
            pltpu.VMEM((B * K, D), f32),
            pltpu.VMEM((NUM_MEM, B * K), f32),
        ],
    )(qf, kvf, W_cond, W_q, W_k, W_v, W_g, W_o, condg2)

    return out.reshape(B, Q, D), router_flat.reshape(N, K, NUM_MEM)


def kernel(query, keyval, W_cond, W_q, W_k, W_v, W_g, W_o):
    return _run(query, keyval, W_cond, W_q, W_k, W_v, W_g, W_o)

# --- scband reference (transcript-rebuilt; emitter-appended) ---
"""Pipeline reference for scband-mo-mattention-cross-78391743086628 (READ-ONLY COPY).

The authoritative reference and input builder live on the scoring server;
editing this copy changes nothing except your own understanding.
"""

import jax, jax.numpy as jnp
import numpy as np

HIDDEN = 256
HEADS = 4
NUM_MEM = 8
TOP_K = 2
COND_SCALE = 1.0
B, Q, K = 2, 128, 256


def setup_inputs(seed: int = 0) -> dict:
    key = jax.random.key(seed)
    ks = jax.random.split(key, 8)
    D = HIDDEN
    s = 1.0 / np.sqrt(D)
    return {
        "query": jax.random.normal(ks[0], (B, Q, D), dtype=jnp.float32),
        "keyval": jax.random.normal(ks[1], (B, K, D), dtype=jnp.float32),
        "W_cond": jax.random.normal(ks[2], (D, D), dtype=jnp.float32) * s,
        "W_q": jax.random.normal(ks[3], (D, D), dtype=jnp.float32) * s,
        "W_k": jax.random.normal(ks[4], (D, D), dtype=jnp.float32) * s,
        "W_v": jax.random.normal(ks[5], (D, D), dtype=jnp.float32) * s,
        "W_g": jax.random.normal(ks[6], (D, NUM_MEM), dtype=jnp.float32) * s,
        "W_o": jax.random.normal(ks[7], (D, D), dtype=jnp.float32) * s,
    }


def _mom_cross(query, keyval, W_cond, W_q, W_k, W_v, W_g, W_o):
    Bq, Qq, D = query.shape
    Kk = keyval.shape[1]
    H = HEADS
    dh = D // H
    N = Bq * Qq
    # expand keyval per query token (cross-attention conditioning)
    exp_kv = jnp.broadcast_to(keyval[:, None, :, :], (Bq, Qq, Kk, D)).reshape(N, Kk, D)
    cond = (query.reshape(N, 1, D) @ W_cond) * COND_SCALE
    h = exp_kv + cond  # [N, K, D]
    q = h @ W_q
    k = h @ W_k
    v = h @ W_v
    router_logits = h @ W_g  # [N, K, E]
    topv, topi = jax.lax.top_k(router_logits, TOP_K)
    gate = jax.nn.softmax(topv, axis=-1)
    w = jnp.sum(jax.nn.one_hot(topi, NUM_MEM, dtype=router_logits.dtype) * gate[..., None], axis=-2)  # [N, K, E]
    def heads(x):
        return x.reshape(N, Kk, H, dh)
    phiq = jax.nn.elu(heads(q)) + 1.0
    phik = jax.nn.elu(heads(k)) + 1.0
    vh = heads(v)
    num = jnp.zeros((N, Kk, H, dh), dtype=h.dtype)
    den = jnp.zeros((N, Kk, H), dtype=h.dtype)
    for m in range(NUM_MEM):
        wm = w[..., m]  # [N, K]
        pkm = phik * wm[..., None, None]
        Sm = jnp.einsum('nkhd,nkhe->nhde', pkm, vh)  # per-memory state
        zm = jnp.sum(pkm, axis=1)  # [N, H, dh]
        num = num + jnp.einsum('nkhd,nhde->nkhe', phiq, Sm) * wm[..., None, None]
        den = den + jnp.einsum('nkhd,nhd->nkh', phiq, zm) * wm[..., None]
    out = num / (den[..., None] + 1e-6)
    out = out.reshape(N, Kk, D) @ W_o
    output = out[:, -1, :].reshape(Bq, Qq, D)
    return output, router_logits


def reference(query, keyval, W_cond, W_q, W_k, W_v, W_g, W_o):
    output, router_logits = _mom_cross(query, keyval, W_cond, W_q, W_k, W_v, W_g, W_o)
    return (output, router_logits)

if __name__ == "__main__":
    import jax
    _d = setup_inputs()
    print(jax.jit(kernel)(*tuple(_d.values())))

</pallas_src>

<mosaic_0001>
#map = affine_map<(d0, d1) -> (0)>
module attributes {stable_mosaic.version = 14 : i64} {
  func.func @_sc_router(%arg0: i32, %arg1: i32, %arg2: memref<4096xf32, #tpu.memory_space<hbm>>, %arg3: memref<4096xf32, #tpu.memory_space<hbm>>, %arg4: memref<524288xf32, #tpu.memory_space<hbm>>, %arg5: memref<128xf32, #tpu.memory_space<vmem>>, %arg6: memref<2048xf32, #tpu.memory_space<vmem>>, %arg7: memref<16384xf32, #tpu.memory_space<vmem>>) attributes {dimension_semantics = [#tpu.dimension_semantics<core_parallel>, #tpu.dimension_semantics<subcore_parallel>], iteration_bounds = array<i64: 2, 16>, scalar_prefetch = 0 : i64, scratch_operands = 3 : i64, tpu.core_type = #tpu.core_type<sc_vector_subcore>, window_params = [{transform_indices = #map}, {transform_indices = #map}, {transform_indices = #map}]} {
    %mul3A = arith.constant 2 : i32
    %mul3A_0 = arith.muli %arg1, %mul3A : i32
    %add3A = arith.addi %mul3A_0, %arg0 : i32
    %mul3A_1 = arith.constant 8 : i32
    %mul3A_2 = arith.muli %add3A, %mul3A_1 : i32
    %jit3A = arith.constant 128 : i32
    %div3A = arith.divsi %mul3A_2, %jit3A : i32
    %sign3A = arith.constant 0 : i32
    %sign3A_3 = arith.cmpi sgt, %mul3A_2, %sign3A : i32
    %sign3A_4 = arith.extui %sign3A_3 : i1 to i32
    %sign3A_5 = arith.constant 0 : i32
    %sign3A_6 = arith.cmpi slt, %mul3A_2, %sign3A_5 : i32
    %sign3A_7 = arith.extui %sign3A_6 : i1 to i32
    %sign3A_8 = arith.subi %sign3A_4, %sign3A_7 : i32
    %sign3A_9 = arith.constant 0 : i32
    %sign3A_10 = arith.cmpi sgt, %jit3A, %sign3A_9 : i32
    %sign3A_11 = arith.extui %sign3A_10 : i1 to i32
    %sign3A_12 = arith.constant 0 : i32
    %sign3A_13 = arith.cmpi slt, %jit3A, %sign3A_12 : i32
    %sign3A_14 = arith.extui %sign3A_13 : i1 to i32
    %sign3A_15 = arith.subi %sign3A_11, %sign3A_14 : i32
    %ne3A = arith.cmpi ne, %sign3A_8, %sign3A_15 : i32
    %rem3A = arith.remsi %mul3A_2, %jit3A : i32
    %ne3A_16 = arith.constant 0 : i32
    %ne3A_17 = arith.cmpi ne, %rem3A, %ne3A_16 : i32
    %and3A = arith.andi %ne3A, %ne3A_17 : i1
    %sub3A = arith.constant 1 : i32
    %sub3A_18 = arith.subi %div3A, %sub3A : i32
    %select_n3A = arith.select %and3A, %sub3A_18, %div3A : i32
    %mul3A_19 = arith.constant 2 : i32
    %mul3A_20 = arith.muli %mul3A_2, %mul3A_19 : i32
    %mul3A_21 = arith.constant 8 : i32
    %mul3A_22 = arith.muli %mul3A_20, %mul3A_21 : i32
    "tpu.region"() ({
      %run_scoped3A = tpu.sem_alloc : memref<!tpu.dma_semaphore, #tpu.memory_space<semaphore_mem>>
      %dma_start3A = tpu.memref_slice %arg2[%mul3A_22] : memref<4096xf32, #tpu.memory_space<hbm>> -> memref<128xf32, #tpu.memory_space<hbm>>
      %dma_start3A_32 = tpu.memref_slice %arg2[%mul3A_22] : memref<4096xf32, #tpu.memory_space<hbm>> -> memref<128xf32, #tpu.memory_space<hbm>>
      tpu.enqueue_dma source(%dma_start3A_32 : memref<128xf32, #tpu.memory_space<hbm>>) target(%arg5 : memref<128xf32, #tpu.memory_space<vmem>>) target_semaphore(%run_scoped3A : memref<!tpu.dma_semaphore, #tpu.memory_space<semaphore_mem>>)
      %dma_wait3A = tpu.memref_slice %arg2[%mul3A_22] : memref<4096xf32, #tpu.memory_space<hbm>> -> memref<128xf32, #tpu.memory_space<hbm>>
      %dma_wait3A_33 = tpu.memref_slice %arg2[%mul3A_22] : memref<4096xf32, #tpu.memory_space<hbm>> -> memref<128xf32, #tpu.memory_space<hbm>>
      tpu.wait_dma2 semaphore(%run_scoped3A : memref<!tpu.dma_semaphore, #tpu.memory_space<semaphore_mem>>) src(%dma_wait3A_33 : memref<128xf32, #tpu.memory_space<hbm>>) dst(%arg5 : memref<128xf32, #tpu.memory_space<vmem>>)
      tpu.yield
    }) : () -> ()
    %mul3A_23 = arith.constant 2048 : i32
    %mul3A_24 = arith.muli %select_n3A, %mul3A_23 : i32
    "tpu.region"() ({
      %run_scoped3A = tpu.sem_alloc : memref<!tpu.dma_semaphore, #tpu.memory_space<semaphore_mem>>
      %dma_start3A = tpu.memref_slice %arg3[%mul3A_24] : memref<4096xf32, #tpu.memory_space<hbm>> -> memref<2048xf32, #tpu.memory_space<hbm>>
      %dma_start3A_32 = tpu.memref_slice %arg3[%mul3A_24] : memref<4096xf32, #tpu.memory_space<hbm>> -> memref<2048xf32, #tpu.memory_space<hbm>>
      tpu.enqueue_dma source(%dma_start3A_32 : memref<2048xf32, #tpu.memory_space<hbm>>) target(%arg6 : memref<2048xf32, #tpu.memory_space<vmem>>) target_semaphore(%run_scoped3A : memref<!tpu.dma_semaphore, #tpu.memory_space<semaphore_mem>>)
      %dma_wait3A = tpu.memref_slice %arg3[%mul3A_24] : memref<4096xf32, #tpu.memory_space<hbm>> -> memref<2048xf32, #tpu.memory_space<hbm>>
      %dma_wait3A_33 = tpu.memref_slice %arg3[%mul3A_24] : memref<4096xf32, #tpu.memory_space<hbm>> -> memref<2048xf32, #tpu.memory_space<hbm>>
      tpu.wait_dma2 semaphore(%run_scoped3A : memref<!tpu.dma_semaphore, #tpu.memory_space<semaphore_mem>>) src(%dma_wait3A_33 : memref<2048xf32, #tpu.memory_space<hbm>>) dst(%arg6 : memref<2048xf32, #tpu.memory_space<vmem>>)
      tpu.yield
    }) : () -> ()
    %scan3A = arith.constant 0 : i32
    %scan3A_25 = arith.constant 0 : i32
    %scan3A_26 = arith.constant 128 : i32
    %scan3A_27 = arith.addi %scan3A_25, %scan3A_26 : i32
    %scan3A_28 = arith.constant 1 : i32
    scf.for %scan3A_32 = %scan3A_25 to %scan3A_27 step %scan3A_28  : i32 {
      %mul3A_33 = arith.constant 16 : i32
      %mul3A_34 = arith.muli %scan3A_32, %mul3A_33 : i32
      %get3A = arith.index_cast %mul3A_34 : i32 to index
      %get3A_35 = tpu.vector_load %arg6[%get3A] {strides = array<i32>} : memref<2048xf32, #tpu.memory_space<vmem>>, vector<16xf32>,
      %get3A_36 = vector.shape_cast %get3A_35 : vector<16xf32> to vector<16xf32>
      %get3A_37 = arith.constant 0 : index
      %get3A_38 = tpu.vector_load %arg5[%get3A_37] {strides = array<i32>} : memref<128xf32, #tpu.memory_space<vmem>>, vector<16xf32>,
      %get3A_39 = vector.shape_cast %get3A_38 : vector<16xf32> to vector<16xf32>
      %add3A_40 = arith.addf %get3A_36, %get3A_39 : vector<16xf32>
      %mul3A_41 = arith.constant 16 : i32
      %mul3A_42 = arith.muli %scan3A_32, %mul3A_41 : i32
      %add3A_43 = arith.constant 0 : i32
      %add3A_44 = arith.addi %add3A_43, %mul3A_42 : i32
      %swap3A = arith.index_cast %add3A_44 : i32 to index
      %swap3A_45 = tpu.vector_load %arg7[%swap3A] {strides = array<i32>} : memref<16384xf32, #tpu.memory_space<vmem>>, vector<16xf32>,
      %swap3A_46 = vector.shape_cast %swap3A_45 : vector<16xf32> to vector<16xf32>
      %swap3A_47 = vector.shape_cast %add3A_40 : vector<16xf32> to vector<16xf32>
      tpu.vector_store %arg7[%swap3A], %swap3A_47 {strides = array<i32>} : memref<16384xf32, #tpu.memory_space<vmem>>, vector<16xf32>,
      %get3A_48 = arith.constant 16 : index
      %get3A_49 = tpu.vector_load %arg5[%get3A_48] {strides = array<i32>} : memref<128xf32, #tpu.memory_space<vmem>>, vector<16xf32>,
      %get3A_50 = vector.shape_cast %get3A_49 : vector<16xf32> to vector<16xf32>
      %add3A_51 = arith.addf %get3A_36, %get3A_50 : vector<16xf32>
      %mul3A_52 = arith.constant 16 : i32
      %mul3A_53 = arith.muli %scan3A_32, %mul3A_52 : i32
      %add3A_54 = arith.constant 2048 : i32
      %add3A_55 = arith.addi %add3A_54, %mul3A_53 : i32
      %swap3A_56 = arith.index_cast %add3A_55 : i32 to index
      %swap3A_57 = tpu.vector_load %arg7[%swap3A_56] {strides = array<i32>} : memref<16384xf32, #tpu.memory_space<vmem>>, vector<16xf32>,
      %swap3A_58 = vector.shape_cast %swap3A_57 : vector<16xf32> to vector<16xf32>
      %swap3A_59 = vector.shape_cast %add3A_51 : vector<16xf32> to vector<16xf32>
      tpu.vector_store %arg7[%swap3A_56], %swap3A_59 {strides = array<i32>} : memref<16384xf32, #tpu.memory_space<vmem>>, vector<16xf32>,
      %get3A_60 = arith.constant 32 : index
      %get3A_61 = tpu.vector_load %arg5[%get3A_60] {strides = array<i32>} : memref<128xf32, #tpu.memory_space<vmem>>, vector<16xf32>,
      %get3A_62 = vector.shape_cast %get3A_61 : vector<16xf32> to vector<16xf32>
      %add3A_63 = arith.addf %get3A_36, %get3A_62 : vector<16xf32>
      %mul3A_64 = arith.constant 16 : i32
      %mul3A_65 = arith.muli %scan3A_32, %mul3A_64 : i32
      %add3A_66 = arith.constant 4096 : i32
      %add3A_67 = arith.addi %add3A_66, %mul3A_65 : i32
      %swap3A_68 = arith.index_cast %add3A_67 : i32 to index
      %swap3A_69 = tpu.vector_load %arg7[%swap3A_68] {strides = array<i32>} : memref<16384xf32, #tpu.memory_space<vmem>>, vector<16xf32>,
      %swap3A_70 = vector.shape_cast %swap3A_69 : vector<16xf32> to vector<16xf32>
      %swap3A_71 = vector.shape_cast %add3A_63 : vector<16xf32> to vector<16xf32>
      tpu.vector_store %arg7[%swap3A_68], %swap3A_71 {strides = array<i32>} : memref<16384xf32, #tpu.memory_space<vmem>>, vector<16xf32>,
      %get3A_72 = arith.constant 48 : index
      %get3A_73 = tpu.vector_load %arg5[%get3A_72] {strides = array<i32>} : memref<128xf32, #tpu.memory_space<vmem>>, vector<16xf32>,
      %get3A_74 = vector.shape_cast %get3A_73 : vector<16xf32> to vector<16xf32>
      %add3A_75 = arith.addf %get3A_36, %get3A_74 : vector<16xf32>
      %mul3A_76 = arith.constant 16 : i32
      %mul3A_77 = arith.muli %scan3A_32, %mul3A_76 : i32
      %add3A_78 = arith.constant 6144 : i32
      %add3A_79 = arith.addi %add3A_78, %mul3A_77 : i32
      %swap3A_80 = arith.index_cast %add3A_79 : i32 to index
      %swap3A_81 = tpu.vector_load %arg7[%swap3A_80] {strides = array<i32>} : memref<16384xf32, #tpu.memory_space<vmem>>, vector<16xf32>,
      %swap3A_82 = vector.shape_cast %swap3A_81 : vector<16xf32> to vector<16xf32>
      %swap3A_83 = vector.shape_cast %add3A_75 : vector<16xf32> to vector<16xf32>
      tpu.vector_store %arg7[%swap3A_80], %swap3A_83 {strides = array<i32>} : memref<16384xf32, #tpu.memory_space<vmem>>, vector<16xf32>,
      %get3A_84 = arith.constant 64 : index
      %get3A_85 = tpu.vector_load %arg5[%get3A_84] {strides = array<i32>} : memref<128xf32, #tpu.memory_space<vmem>>, vector<16xf32>,
      %get3A_86 = vector.shape_cast %get3A_85 : vector<16xf32> to vector<16xf32>
      %add3A_87 = arith.addf %get3A_36, %get3A_86 : vector<16xf32>
      %mul3A_88 = arith.constant 16 : i32
      %mul3A_89 = arith.muli %scan3A_32, %mul3A_88 : i32
      %add3A_90 = arith.constant 8192 : i32
      %add3A_91 = arith.addi %add3A_90, %mul3A_89 : i32
      %swap3A_92 = arith.index_cast %add3A_91 : i32 to index
      %swap3A_93 = tpu.vector_load %arg7[%swap3A_92] {strides = array<i32>} : memref<16384xf32, #tpu.memory_space<vmem>>, vector<16xf32>,
      %swap3A_94 = vector.shape_cast %swap3A_93 : vector<16xf32> to vector<16xf32>
      %swap3A_95 = vector.shape_cast %add3A_87 : vector<16xf32> to vector<16xf32>
      tpu.vector_store %arg7[%swap3A_92], %swap3A_95 {strides = array<i32>} : memref<16384xf32, #tpu.memory_space<vmem>>, vector<16xf32>,
      %get3A_96 = arith.constant 80 : index
      %get3A_97 = tpu.vector_load %arg5[%get3A_96] {strides = array<i32>} : memref<128xf32, #tpu.memory_space<vmem>>, vector<16xf32>,
      %get3A_98 = vector.shape_cast %get3A_97 : vector<16xf32> to vector<16xf32>
      %add3A_99 = arith.addf %get3A_36, %get3A_98 : vector<16xf32>
      %mul3A_100 = arith.constant 16 : i32
      %mul3A_101 = arith.muli %scan3A_32, %mul3A_100 : i32
      %add3A_102 = arith.constant 10240 : i32
      %add3A_103 = arith.addi %add3A_102, %mul3A_101 : i32
      %swap3A_104 = arith.index_cast %add3A_103 : i32 to index
      %swap3A_105 = tpu.vector_load %arg7[%swap3A_104] {strides = array<i32>} : memref<16384xf32, #tpu.memory_space<vmem>>, vector<16xf32>,
      %swap3A_106 = vector.shape_cast %swap3A_105 : vector<16xf32> to vector<16xf32>
      %swap3A_107 = vector.shape_cast %add3A_99 : vector<16xf32> to vector<16xf32>
      tpu.vector_store %arg7[%swap3A_104], %swap3A_107 {strides = array<i32>} : memref<16384xf32, #tpu.memory_space<vmem>>, vector<16xf32>,
      %get3A_108 = arith.constant 96 : index
      %get3A_109 = tpu.vector_load %arg5[%get3A_108] {strides = array<i32>} : memref<128xf32, #tpu.memory_space<vmem>>, vector<16xf32>,
      %get3A_110 = vector.shape_cast %get3A_109 : vector<16xf32> to vector<16xf32>
      %add3A_111 = arith.addf %get3A_36, %get3A_110 : vector<16xf32>
      %mul3A_112 = arith.constant 16 : i32
      %mul3A_113 = arith.muli %scan3A_32, %mul3A_112 : i32
      %add3A_114 = arith.constant 12288 : i32
      %add3A_115 = arith.addi %add3A_114, %mul3A_113 : i32
      %swap3A_116 = arith.index_cast %add3A_115 : i32 to index
      %swap3A_117 = tpu.vector_load %arg7[%swap3A_116] {strides = array<i32>} : memref<16384xf32, #tpu.memory_space<vmem>>, vector<16xf32>,
      %swap3A_118 = vector.shape_cast %swap3A_117 : vector<16xf32> to vector<16xf32>
      %swap3A_119 = vector.shape_cast %add3A_111 : vector<16xf32> to vector<16xf32>
      tpu.vector_store %arg7[%swap3A_116], %swap3A_119 {strides = array<i32>} : memref<16384xf32, #tpu.memory_space<vmem>>, vector<16xf32>,
      %get3A_120 = arith.constant 112 : index
      %get3A_121 = tpu.vector_load %arg5[%get3A_120] {strides = array<i32>} : memref<128xf32, #tpu.memory_space<vmem>>, vector<16xf32>,
      %get3A_122 = vector.shape_cast %get3A_121 : vector<16xf32> to vector<16xf32>
      %add3A_123 = arith.addf %get3A_36, %get3A_122 : vector<16xf32>
      %mul3A_124 = arith.constant 16 : i32
      %mul3A_125 = arith.muli %scan3A_32, %mul3A_124 : i32
      %add3A_126 = arith.constant 14336 : i32
      %add3A_127 = arith.addi %add3A_126, %mul3A_125 : i32
      %swap3A_128 = arith.index_cast %add3A_127 : i32 to index
      %swap3A_129 = tpu.vector_load %arg7[%swap3A_128] {strides = array<i32>} : memref<16384xf32, #tpu.memory_space<vmem>>, vector<16xf32>,
      %swap3A_130 = vector.shape_cast %swap3A_129 : vector<16xf32> to vector<16xf32>
      %swap3A_131 = vector.shape_cast %add3A_123 : vector<16xf32> to vector<16xf32>
      tpu.vector_store %arg7[%swap3A_128], %swap3A_131 {strides = array<i32>} : memref<16384xf32, #tpu.memory_space<vmem>>, vector<16xf32>,
    }
    %scan3A_29 = arith.constant 128 : i32
    %mul3A_30 = arith.constant 2048 : i32
    %mul3A_31 = arith.muli %mul3A_2, %mul3A_30 : i32
    "tpu.region"() ({
      %run_scoped3A = tpu.sem_alloc : memref<!tpu.dma_semaphore, #tpu.memory_space<semaphore_mem>>
      %dma_start3A = tpu.memref_slice %arg4[%mul3A_31] : memref<524288xf32, #tpu.memory_space<hbm>> -> memref<16384xf32, #tpu.memory_space<hbm>>
      %dma_start3A_32 = tpu.memref_slice %arg4[%mul3A_31] : memref<524288xf32, #tpu.memory_space<hbm>> -> memref<16384xf32, #tpu.memory_space<hbm>>
      tpu.enqueue_dma source(%arg7 : memref<16384xf32, #tpu.memory_space<vmem>>) target(%dma_start3A_32 : memref<16384xf32, #tpu.memory_space<hbm>>) target_semaphore(%run_scoped3A : memref<!tpu.dma_semaphore, #tpu.memory_space<semaphore_mem>>)
      %dma_wait3A = tpu.memref_slice %arg4[%mul3A_31] : memref<524288xf32, #tpu.memory_space<hbm>> -> memref<16384xf32, #tpu.memory_space<hbm>>
      %dma_wait3A_33 = tpu.memref_slice %arg4[%mul3A_31] : memref<524288xf32, #tpu.memory_space<hbm>> -> memref<16384xf32, #tpu.memory_space<hbm>>
      tpu.wait_dma2 semaphore(%run_scoped3A : memref<!tpu.dma_semaphore, #tpu.memory_space<semaphore_mem>>) src(%arg7 : memref<16384xf32, #tpu.memory_space<vmem>>) dst(%dma_wait3A_33 : memref<16384xf32, #tpu.memory_space<hbm>>)
      tpu.yield
    }) : () -> ()
    return
  }
}

module attributes {stable_mosaic.version = 14 : i64} {
  func.func @_gproj_kernel(%arg0: memref<256x256xf32, #tpu.memory_space<vmem>>, %arg1: memref<512x256xf32, #tpu.memory_space<vmem>>, %arg2: memref<256x256xf32, #tpu.memory_space<vmem>>, %arg3: memref<256x16xf32, #tpu.memory_space<vmem>>, %arg4: memref<256x16xf32, #tpu.memory_space<vmem>>, %arg5: memref<512x8xf32, #tpu.memory_space<vmem>>) attributes {dimension_semantics = [], scalar_prefetch = 0 : i64, scratch_operands = 0 : i64, tpu.core_type = #tpu.core_type<tc>} {
    %get3A = arith.constant 0 : index
    %get3A_0 = arith.constant 0 : index
    %get3A_1 = vector.load %arg0[%get3A, %get3A_0] : memref<256x256xf32, #tpu.memory_space<vmem>>, vector<256x256xf32>
    %get3A_2 = arith.constant 0 : index
    %get3A_3 = arith.constant 0 : index
    %get3A_4 = vector.load %arg2[%get3A_2, %get3A_3] : memref<256x256xf32, #tpu.memory_space<vmem>>, vector<256x256xf32>
    %dot_general3A = arith.constant dense<0.000000e+00> : vector<256x256xf32>
    %dot_general3A_5 = tpu.matmul %get3A_1, %get3A_4, %dot_general3A {dimension_numbers = #tpu.dot_dimension_numbers<[1], [0], [0], [1], [0, 0, 1, 1], [], []>, transpose_lhs_hint = false} : vector<256x256xf32>, vector<256x256xf32>, vector<256x256xf32> -> vector<256x256xf32>
    %get3A_6 = arith.constant 0 : index
    %get3A_7 = arith.constant 0 : index
    %get3A_8 = vector.load %arg3[%get3A_6, %get3A_7] : memref<256x16xf32, #tpu.memory_space<vmem>>, vector<256x16xf32>
    %dot_general3A_9 = arith.constant dense<0.000000e+00> : vector<256x16xf32>
    %dot_general3A_10 = tpu.matmul %dot_general3A_5, %get3A_8, %dot_general3A_9 {dimension_numbers = #tpu.dot_dimension_numbers<[1], [0], [0], [1], [0, 0, 1, 1], [], []>, transpose_lhs_hint = false} : vector<256x256xf32>, vector<256x16xf32>, vector<256x16xf32> -> vector<256x16xf32>
    %swap3A = arith.constant 0 : index
    %swap3A_11 = arith.constant 0 : index
    %swap3A_12 = vector.load %arg4[%swap3A, %swap3A_11] : memref<256x16xf32, #tpu.memory_space<vmem>>, vector<256x16xf32>
    tpu.vector_store %arg4[%swap3A, %swap3A_11], %dot_general3A_10 {strides = array<i32>} : memref<256x16xf32, #tpu.memory_space<vmem>>, vector<256x16xf32>,
    %get3A_13 = arith.constant 0 : index
    %get3A_14 = arith.constant 0 : index
    %get3A_15 = vector.load %arg1[%get3A_13, %get3A_14] : memref<512x256xf32, #tpu.memory_space<vmem>>, vector<512x256xf32>
    %get3A_16 = arith.constant 0 : index
    %get3A_17 = arith.constant 0 : index
    %get3A_18 = vector.load %arg3[%get3A_16, %get3A_17] : memref<256x16xf32, #tpu.memory_space<vmem>>, vector<256x16xf32>
    %slice3A = vector.extract_strided_slice %get3A_18 {offsets = [0, 0], sizes = [256, 8], strides = [1, 1]} : vector<256x16xf32> to vector<256x8xf32>
    %dot_general3A_19 = arith.constant dense<0.000000e+00> : vector<512x8xf32>
    %dot_general3A_20 = tpu.matmul %get3A_15, %slice3A, %dot_general3A_19 {dimension_numbers = #tpu.dot_dimension_numbers<[1], [0], [0], [1], [0, 0, 1, 1], [], []>, transpose_lhs_hint = false} : vector<512x256xf32>, vector<256x8xf32>, vector<512x8xf32> -> vector<512x8xf32>
    %swap3A_21 = arith.constant 0 : index
    %swap3A_22 = arith.constant 0 : index
    %swap3A_23 = vector.load %arg5[%swap3A_21, %swap3A_22] : memref<512x8xf32, #tpu.memory_space<vmem>>, vector<512x8xf32>
    tpu.vector_store %arg5[%swap3A_21, %swap3A_22], %dot_general3A_20 {strides = array<i32>} : memref<512x8xf32, #tpu.memory_space<vmem>>, vector<512x8xf32>,
    return
  }
}

module attributes {stable_mosaic.version = 14 : i64} {
  func.func @_fused_kernel(%arg0: i32, %arg1: memref<256x256xf32, #tpu.memory_space<vmem>>, %arg2: memref<512x256xf32, #tpu.memory_space<vmem>>, %arg3: memref<256x256xf32, #tpu.memory_space<vmem>>, %arg4: memref<256x256xf32, #tpu.memory_space<vmem>>, %arg5: memref<256x256xf32, #tpu.memory_space<vmem>>, %arg6: memref<256x256xf32, #tpu.memory_space<vmem>>, %arg7: memref<256x8xf32, #tpu.memory_space<vmem>>, %arg8: memref<256x256xf32, #tpu.memory_space<vmem>>, %arg9: memref<256x16xf32, #tpu.memory_space<vmem>>, %arg10: memref<64x256xf32, #tpu.memory_space<vmem>>, %arg11: memref<256x256xf32, #tpu.memory_space<vmem>>, %arg12: memref<256x256xf32, #tpu.memory_space<vmem>>, %arg13: memref<256x8xf32, #tpu.memory_space<vmem>>, %arg14: memref<256x256xf32, #tpu.memory_space<vmem>>, %arg15: memref<512x256xf32, #tpu.memory_space<vmem>>, %arg16: memref<512x256xf32, #tpu.memory_space<vmem>>, %arg17: memref<8x512xf32, #tpu.memory_space<vmem>>) attributes {dimension_semantics = [#tpu.dimension_semantics<arbitrary>], iteration_bounds = array<i64: 4>, scalar_prefetch = 0 : i64, scratch_operands = 7 : i64, tpu.core_type = #tpu.core_type<tc>, window_params = [{pipeline_mode = #tpu.pipeline_mode<synchronous>, transform_indices = @transform_0, window_bounds = array<i64: 256, 256>}, {pipeline_mode = #tpu.pipeline_mode<synchronous>, transform_indices = @transform_1, window_bounds = array<i64: 512, 256>}, {pipeline_mode = #tpu.pipeline_mode<synchronous>, transform_indices = @transform_2, window_bounds = array<i64: 256, 256>}, {pipeline_mode = #tpu.pipeline_mode<synchronous>, transform_indices = @transform_3, window_bounds = array<i64: 256, 256>}, {pipeline_mode = #tpu.pipeline_mode<synchronous>, transform_indices = @transform_4, window_bounds = array<i64: 256, 256>}, {pipeline_mode = #tpu.pipeline_mode<synchronous>, transform_indices = @transform_5, window_bounds = array<i64: 256, 256>}, {pipeline_mode = #tpu.pipeline_mode<synchronous>, transform_indices = @transform_6, window_bounds = array<i64: 256, 8>}, {pipeline_mode = #tpu.pipeline_mode<synchronous>, transform_indices = @transform_7, window_bounds = array<i64: 256, 256>}, {pipeline_mode = #tpu.pipeline_mode<synchronous>, transform_indices = @transform_8, window_bounds = array<i64: 256, 16>}, {transform_indices = @transform_9, window_bounds = array<i64: 64, 256>}]} {
    %eq3A = arith.constant 0 : i32
    %eq3A_0 = arith.cmpi eq, %arg0, %eq3A : i32
    %convert_element_type3A = arith.extui %eq3A_0 : i1 to i32
    %cond3A = arith.constant 0 : i32
    %cond3A_1 = arith.cmpi ne, %convert_element_type3A, %cond3A : i32
    scf.if %cond3A_1 {
      %get3A_303 = arith.constant 0 : index
      %get3A_304 = arith.constant 0 : index
      %get3A_305 = vector.load %arg1[%get3A_303, %get3A_304] : memref<256x256xf32, #tpu.memory_space<vmem>>, vector<256x256xf32>
      %get3A_306 = arith.constant 0 : index
      %get3A_307 = arith.constant 0 : index
      %get3A_308 = vector.load %arg2[%get3A_306, %get3A_307] : memref<512x256xf32, #tpu.memory_space<vmem>>, vector<512x256xf32>
      %get3A_309 = arith.constant 0 : index
      %get3A_310 = arith.constant 0 : index
      %get3A_311 = vector.load %arg3[%get3A_309, %get3A_310] : memref<256x256xf32, #tpu.memory_space<vmem>>, vector<256x256xf32>
      %dot_general3A_312 = arith.constant dense<0.000000e+00> : vector<256x256xf32>
      %dot_general3A_313 = tpu.matmul %get3A_305, %get3A_311, %dot_general3A_312 {dimension_numbers = #tpu.dot_dimension_numbers<[1], [0], [0], [1], [0, 0, 1, 1], [], []>, transpose_lhs_hint = false} : vector<256x256xf32>, vector<256x256xf32>, vector<256x256xf32> -> vector<256x256xf32>
      %get3A_314 = arith.constant 0 : index
      %get3A_315 = arith.constant 0 : index
      %get3A_316 = vector.load %arg5[%get3A_314, %get3A_315] : memref<256x256xf32, #tpu.memory_space<vmem>>, vector<256x256xf32>
      %dot_general3A_317 = arith.constant dense<0.000000e+00> : vector<256x256xf32>
      %dot_general3A_318 = tpu.matmul %dot_general3A_313, %get3A_316, %dot_general3A_317 {dimension_numbers = #tpu.dot_dimension_numbers<[1], [0], [0], [1], [0, 0, 1, 1], [], []>, transpose_lhs_hint = false} : vector<256x256xf32>, vector<256x256xf32>, vector<256x256xf32> -> vector<256x256xf32>
      %swap3A_319 = arith.constant 0 : index
      %swap3A_320 = arith.constant 0 : index
      %swap3A_321 = vector.load %arg11[%swap3A_319, %swap3A_320] : memref<256x256xf32, #tpu.memory_space<vmem>>, vector<256x256xf32>
      tpu.vector_store %arg11[%swap3A_319, %swap3A_320], %dot_general3A_318 {strides = array<i32>} : memref<256x256xf32, #tpu.memory_space<vmem>>, vector<256x256xf32>,
      %get3A_322 = arith.constant 0 : index
      %get3A_323 = arith.constant 0 : index
      %get3A_324 = vector.load %arg6[%get3A_322, %get3A_323] : memref<256x256xf32, #tpu.memory_space<vmem>>, vector<256x256xf32>
      %dot_general3A_325 = arith.constant dense<0.000000e+00> : vector<256x256xf32>
      %dot_general3A_326 = tpu.matmul %dot_general3A_313, %get3A_324, %dot_general3A_325 {dimension_numbers = #tpu.dot_dimension_numbers<[1], [0], [0], [1], [0, 0, 1, 1], [], []>, transpose_lhs_hint = false} : vector<256x256xf32>, vector<256x256xf32>, vector<256x256xf32> -> vector<256x256xf32>
      %swap3A_327 = arith.constant 0 : index
      %swap3A_328 = arith.constant 0 : index
      %swap3A_329 = vector.load %arg12[%swap3A_327, %swap3A_328] : memref<256x256xf32, #tpu.memory_space<vmem>>, vector<256x256xf32>
      tpu.vector_store %arg12[%swap3A_327, %swap3A_328], %dot_general3A_326 {strides = array<i32>} : memref<256x256xf32, #tpu.memory_space<vmem>>, vector<256x256xf32>,
      %get3A_330 = arith.constant 0 : index
      %get3A_331 = arith.constant 0 : index
      %get3A_332 = vector.load %arg7[%get3A_330, %get3A_331] : memref<256x8xf32, #tpu.memory_space<vmem>>, vector<256x8xf32>
      %dot_general3A_333 = arith.constant dense<0.000000e+00> : vector<256x8xf32>
      %dot_general3A_334 = tpu.matmul %dot_general3A_313, %get3A_332, %dot_general3A_333 {dimension_numbers = #tpu.dot_dimension_numbers<[1], [0], [0], [1], [0, 0, 1, 1], [], []>, transpose_lhs_hint = false} : vector<256x256xf32>, vector<256x8xf32>, vector<256x8xf32> -> vector<256x8xf32>
      %swap3A_335 = arith.constant 0 : index
      %swap3A_336 = arith.constant 0 : index
      %swap3A_337 = vector.load %arg13[%swap3A_335, %swap3A_336] : memref<256x8xf32, #tpu.memory_space<vmem>>, vector<256x8xf32>
      tpu.vector_store %arg13[%swap3A_335, %swap3A_336], %dot_general3A_334 {strides = array<i32>} : memref<256x8xf32, #tpu.memory_space<vmem>>, vector<256x8xf32>,
      %slice3A_338 = vector.extract_strided_slice %get3A_308 {offsets = [255, 0], sizes = [1, 256], strides = [1, 1]} : vector<512x256xf32> to vector<1x256xf32>
      %broadcast_in_dim3A_339 = vector.shape_cast %slice3A_338 : vector<1x256xf32> to vector<1x256xf32>
      %broadcast_in_dim3A_340 = vector.broadcast %broadcast_in_dim3A_339 : vector<1x256xf32> to vector<128x256xf32>
      %slice3A_341 = vector.extract_strided_slice %get3A_308 {offsets = [511, 0], sizes = [1, 256], strides = [1, 1]} : vector<512x256xf32> to vector<1x256xf32>
      %broadcast_in_dim3A_342 = vector.shape_cast %slice3A_341 : vector<1x256xf32> to vector<1x256xf32>
      %broadcast_in_dim3A_343 = vector.broadcast %broadcast_in_dim3A_342 : vector<1x256xf32> to vector<128x256xf32>
      %concatenate3A = tpu.concatenate %broadcast_in_dim3A_340, %broadcast_in_dim3A_343 in 0 : vector<128x256xf32>, vector<128x256xf32> -> vector<256x256xf32>
      %add3A_344 = arith.addf %concatenate3A, %dot_general3A_313 : vector<256x256xf32>
      %get3A_345 = arith.constant 0 : index
      %get3A_346 = arith.constant 0 : index
      %get3A_347 = vector.load %arg4[%get3A_345, %get3A_346] : memref<256x256xf32, #tpu.memory_space<vmem>>, vector<256x256xf32>
      %dot_general3A_348 = arith.constant dense<0.000000e+00> : vector<256x256xf32>
      %dot_general3A_349 = tpu.matmul %add3A_344, %get3A_347, %dot_general3A_348 {dimension_numbers = #tpu.dot_dimension_numbers<[1], [0], [0], [1], [0, 0, 1, 1], [], []>, transpose_lhs_hint = false} : vector<256x256xf32>, vector<256x256xf32>, vector<256x256xf32> -> vector<256x256xf32>
      %gt3A_350 = arith.constant 0.000000e+00 : f32
      %gt3A_351 = vector.broadcast %gt3A_350 : f32 to vector<256x256xf32>
      %gt3A_352 = arith.cmpf ogt, %dot_general3A_349, %gt3A_351 : vector<256x256xf32>
      %add3A_353 = arith.constant 1.000000e+00 : f32
      %add3A_354 = vector.broadcast %add3A_353 : f32 to vector<256x256xf32>
      %add3A_355 = arith.addf %dot_general3A_349, %add3A_354 : vector<256x256xf32>
      %exp3A_356 = math.exp %dot_general3A_349 : vector<256x256xf32>
      %select_n3A_357 = arith.select %gt3A_352, %add3A_355, %exp3A_356 : vector<256x256xi1>, vector<256x256xf32>
      %swap3A_358 = arith.constant 0 : index
      %swap3A_359 = arith.constant 0 : index
      %swap3A_360 = vector.load %arg14[%swap3A_358, %swap3A_359] : memref<256x256xf32, #tpu.memory_space<vmem>>, vector<256x256xf32>
      tpu.vector_store %arg14[%swap3A_358, %swap3A_359], %select_n3A_357 {strides = array<i32>} : memref<256x256xf32, #tpu.memory_space<vmem>>, vector<256x256xf32>,
      %get3A_361 = arith.constant 0 : index
      %get3A_362 = arith.constant 0 : index
      %get3A_363 = vector.load %arg5[%get3A_361, %get3A_362] : memref<256x256xf32, #tpu.memory_space<vmem>>, vector<256x256xf32>
      %dot_general3A_364 = arith.constant dense<0.000000e+00> : vector<512x256xf32>
      %dot_general3A_365 = tpu.matmul %get3A_308, %get3A_363, %dot_general3A_364 {dimension_numbers = #tpu.dot_dimension_numbers<[1], [0], [0], [1], [0, 0, 1, 1], [], []>, transpose_lhs_hint = false} : vector<512x256xf32>, vector<256x256xf32>, vector<512x256xf32> -> vector<512x256xf32>
      %swap3A_366 = arith.constant 0 : index
      %swap3A_367 = arith.constant 0 : index
      %swap3A_368 = vector.load %arg15[%swap3A_366, %swap3A_367] : memref<512x256xf32, #tpu.memory_space<vmem>>, vector<512x256xf32>
      tpu.vector_store %arg15[%swap3A_366, %swap3A_367], %dot_general3A_365 {strides = array<i32>} : memref<512x256xf32, #tpu.memory_space<vmem>>, vector<512x256xf32>,
      %get3A_369 = arith.constant 0 : index
      %get3A_370 = arith.constant 0 : index
      %get3A_371 = vector.load %arg6[%get3A_369, %get3A_370] : memref<256x256xf32, #tpu.memory_space<vmem>>, vector<256x256xf32>
      %dot_general3A_372 = arith.constant dense<0.000000e+00> : vector<512x256xf32>
      %dot_general3A_373 = tpu.matmul %get3A_308, %get3A_371, %dot_general3A_372 {dimension_numbers = #tpu.dot_dimension_numbers<[1], [0], [0], [1], [0, 0, 1, 1], [], []>, transpose_lhs_hint = false} : vector<512x256xf32>, vector<256x256xf32>, vector<512x256xf32> -> vector<512x256xf32>
      %swap3A_374 = arith.constant 0 : index
      %swap3A_375 = arith.constant 0 : index
      %swap3A_376 = vector.load %arg16[%swap3A_374, %swap3A_375] : memref<512x256xf32, #tpu.memory_space<vmem>>, vector<512x256xf32>
      tpu.vector_store %arg16[%swap3A_374, %swap3A_375], %dot_general3A_373 {strides = array<i32>} : memref<512x256xf32, #tpu.memory_space<vmem>>, vector<512x256xf32>,
      %get3A_377 = arith.constant 0 : index
      %get3A_378 = arith.constant 0 : index
      %get3A_379 = vector.load %arg7[%get3A_377, %get3A_378] : memref<256x8xf32, #tpu.memory_space<vmem>>, vector<256x8xf32>
      %dot_general3A_380 = arith.constant dense<0.000000e+00> : vector<512x8xf32>
      %dot_general3A_381 = tpu.matmul %get3A_308, %get3A_379, %dot_general3A_380 {dimension_numbers = #tpu.dot_dimension_numbers<[1], [0], [0], [1], [0, 0, 1, 1], [], []>, transpose_lhs_hint = false} : vector<512x256xf32>, vector<256x8xf32>, vector<512x8xf32> -> vector<512x8xf32>
      %transpose3A_382 = tpu.transpose %dot_general3A_381, [1, 0] : vector<512x8xf32> -> vector<8x512xf32>
      %swap3A_383 = arith.constant 0 : index
      %swap3A_384 = arith.constant 0 : index
      %swap3A_385 = vector.load %arg17[%swap3A_383, %swap3A_384] : memref<8x512xf32, #tpu.memory_space<vmem>>, vector<8x512xf32>
      tpu.vector_store %arg17[%swap3A_383, %swap3A_384], %transpose3A_382 {strides = array<i32>} : memref<8x512xf32, #tpu.memory_space<vmem>>, vector<8x512xf32>,
    } else {
    }
    %mul3A = arith.constant 64 : i32
    %mul3A_2 = arith.muli %arg0, %mul3A : i32
    %jit3A = arith.constant 128 : i32
    %div3A = arith.divsi %mul3A_2, %jit3A : i32
    %sign3A = arith.constant 0 : i32
    %sign3A_3 = arith.cmpi sgt, %mul3A_2, %sign3A : i32
    %sign3A_4 = arith.extui %sign3A_3 : i1 to i32
    %sign3A_5 = arith.constant 0 : i32
    %sign3A_6 = arith.cmpi slt, %mul3A_2, %sign3A_5 : i32
    %sign3A_7 = arith.extui %sign3A_6 : i1 to i32
    %sign3A_8 = arith.subi %sign3A_4, %sign3A_7 : i32
    %sign3A_9 = arith.constant 0 : i32
    %sign3A_10 = arith.cmpi sgt, %jit3A, %sign3A_9 : i32
    %sign3A_11 = arith.extui %sign3A_10 : i1 to i32
    %sign3A_12 = arith.constant 0 : i32
    %sign3A_13 = arith.cmpi slt, %jit3A, %sign3A_12 : i32
    %sign3A_14 = arith.extui %sign3A_13 : i1 to i32
    %sign3A_15 = arith.subi %sign3A_11, %sign3A_14 : i32
    %ne3A = arith.cmpi ne, %sign3A_8, %sign3A_15 : i32
    %rem3A = arith.remsi %mul3A_2, %jit3A : i32
    %ne3A_16 = arith.constant 0 : i32
    %ne3A_17 = arith.cmpi ne, %rem3A, %ne3A_16 : i32
    %and3A = arith.andi %ne3A, %ne3A_17 : i1
    %sub3A = arith.constant 1 : i32
    %sub3A_18 = arith.subi %div3A, %sub3A : i32
    %select_n3A = arith.select %and3A, %sub3A_18, %div3A : i32
    %get3A = arith.index_cast %mul3A_2 : i32 to index
    %get3A_19 = arith.constant 0 : index
    %get3A_20 = vector.load %arg13[%get3A, %get3A_19] : memref<256x8xf32, #tpu.memory_space<vmem>>, vector<64x8xf32>
    %mul3A_21 = arith.constant 256 : i32
    %mul3A_22 = arith.muli %select_n3A, %mul3A_21 : i32
    %get3A_23 = arith.constant 0 : index
    %get3A_24 = arith.index_cast %mul3A_22 : i32 to index
    %get3A_25 = vector.load %arg17[%get3A_23, %get3A_24] : memref<8x512xf32, #tpu.memory_space<vmem>>, vector<8x256xf32>
    %broadcast_in_dim3A = arith.constant 0xFF800000 : f32
    %broadcast_in_dim3A_26 = vector.broadcast %broadcast_in_dim3A : f32 to vector<64x256xf32>
    %broadcast_in_dim3A_27 = arith.constant 0xFF800000 : f32
    %broadcast_in_dim3A_28 = vector.broadcast %broadcast_in_dim3A_27 : f32 to vector<64x256xf32>
    %broadcast_in_dim3A_29 = arith.constant 0.000000e+00 : f32
    %broadcast_in_dim3A_30 = vector.broadcast %broadcast_in_dim3A_29 : f32 to vector<64x256xf32>
    %broadcast_in_dim3A_31 = arith.constant 0.000000e+00 : f32
    %broadcast_in_dim3A_32 = vector.broadcast %broadcast_in_dim3A_31 : f32 to vector<64x256xf32>
    %slice3A = vector.extract_strided_slice %get3A_25 {offsets = [0, 0], sizes = [1, 256], strides = [1, 1]} : vector<8x256xf32> to vector<1x256xf32>
    %slice3A_33 = vector.extract_strided_slice %get3A_20 {offsets = [0, 0], sizes = [64, 1], strides = [1, 1]} : vector<64x8xf32> to vector<64x1xf32>
    %add3A = vector.broadcast %slice3A : vector<1x256xf32> to vector<64x256xf32>
    %add3A_34 = vector.broadcast %slice3A_33 : vector<64x1xf32> to vector<64x256xf32>
    %add3A_35 = arith.addf %add3A, %add3A_34 : vector<64x256xf32>
    %gt3A = arith.cmpf ogt, %add3A_35, %broadcast_in_dim3A_26 : vector<64x256xf32>
    %gt3A_36 = arith.cmpf ogt, %add3A_35, %broadcast_in_dim3A_28 : vector<64x256xf32>
    %jit3A_37 = arith.constant 0.000000e+00 : f32
    %broadcast_in_dim3A_38 = vector.broadcast %jit3A_37 : f32 to vector<64x256xf32>
    %select_n3A_39 = arith.select %gt3A_36, %broadcast_in_dim3A_38, %broadcast_in_dim3A_32 : vector<64x256xi1>, vector<64x256xf32>
    %select_n3A_40 = arith.select %gt3A, %broadcast_in_dim3A_30, %select_n3A_39 : vector<64x256xi1>, vector<64x256xf32>
    %select_n3A_41 = arith.select %gt3A_36, %add3A_35, %broadcast_in_dim3A_28 : vector<64x256xi1>, vector<64x256xf32>
    %select_n3A_42 = arith.select %gt3A, %broadcast_in_dim3A_26, %select_n3A_41 : vector<64x256xi1>, vector<64x256xf32>
    %jit3A_43 = arith.constant 0.000000e+00 : f32
    %broadcast_in_dim3A_44 = vector.broadcast %jit3A_43 : f32 to vector<64x256xf32>
    %select_n3A_45 = arith.select %gt3A, %broadcast_in_dim3A_44, %broadcast_in_dim3A_30 : vector<64x256xi1>, vector<64x256xf32>
    %select_n3A_46 = arith.select %gt3A, %add3A_35, %broadcast_in_dim3A_26 : vector<64x256xi1>, vector<64x256xf32>
    %slice3A_47 = vector.extract_strided_slice %get3A_25 {offsets = [1, 0], sizes = [1, 256], strides = [1, 1]} : vector<8x256xf32> to vector<1x256xf32>
    %slice3A_48 = vector.extract_strided_slice %get3A_20 {offsets = [0, 1], sizes = [64, 1], strides = [1, 1]} : vector<64x8xf32> to vector<64x1xf32>
    %add3A_49 = vector.broadcast %slice3A_47 : vector<1x256xf32> to vector<64x256xf32>
    %add3A_50 = vector.broadcast %slice3A_48 : vector<64x1xf32> to vector<64x256xf32>
    %add3A_51 = arith.addf %add3A_49, %add3A_50 : vector<64x256xf32>
    %gt3A_52 = arith.cmpf ogt, %add3A_51, %select_n3A_46 : vector<64x256xf32>
    %gt3A_53 = arith.cmpf ogt, %add3A_51, %select_n3A_42 : vector<64x256xf32>
    %jit3A_54 = arith.constant 1.000000e+00 : f32
    %broadcast_in_dim3A_55 = vector.broadcast %jit3A_54 : f32 to vector<64x256xf32>
    %select_n3A_56 = arith.select %gt3A_53, %broadcast_in_dim3A_55, %select_n3A_40 : vector<64x256xi1>, vector<64x256xf32>
    %select_n3A_57 = arith.select %gt3A_52, %select_n3A_45, %select_n3A_56 : vector<64x256xi1>, vector<64x256xf32>
    %select_n3A_58 = arith.select %gt3A_53, %add3A_51, %select_n3A_42 : vector<64x256xi1>, vector<64x256xf32>
    %select_n3A_59 = arith.select %gt3A_52, %select_n3A_46, %select_n3A_58 : vector<64x256xi1>, vector<64x256xf32>
    %jit3A_60 = arith.constant 1.000000e+00 : f32
    %broadcast_in_dim3A_61 = vector.broadcast %jit3A_60 : f32 to vector<64x256xf32>
    %select_n3A_62 = arith.select %gt3A_52, %broadcast_in_dim3A_61, %select_n3A_45 : vector<64x256xi1>, vector<64x256xf32>
    %select_n3A_63 = arith.select %gt3A_52, %add3A_51, %select_n3A_46 : vector<64x256xi1>, vector<64x256xf32>
    %slice3A_64 = vector.extract_strided_slice %get3A_25 {offsets = [2, 0], sizes = [1, 256], strides = [1, 1]} : vector<8x256xf32> to vector<1x256xf32>
    %slice3A_65 = vector.extract_strided_slice %get3A_20 {offsets = [0, 2], sizes = [64, 1], strides = [1, 1]} : vector<64x8xf32> to vector<64x1xf32>
    %add3A_66 = vector.broadcast %slice3A_64 : vector<1x256xf32> to vector<64x256xf32>
    %add3A_67 = vector.broadcast %slice3A_65 : vector<64x1xf32> to vector<64x256xf32>
    %add3A_68 = arith.addf %add3A_66, %add3A_67 : vector<64x256xf32>
    %gt3A_69 = arith.cmpf ogt, %add3A_68, %select_n3A_63 : vector<64x256xf32>
    %gt3A_70 = arith.cmpf ogt, %add3A_68, %select_n3A_59 : vector<64x256xf32>
    %jit3A_71 = arith.constant 2.000000e+00 : f32
    %broadcast_in_dim3A_72 = vector.broadcast %jit3A_71 : f32 to vector<64x256xf32>
    %select_n3A_73 = arith.select %gt3A_70, %broadcast_in_dim3A_72, %select_n3A_57 : vector<64x256xi1>, vector<64x256xf32>
    %select_n3A_74 = arith.select %gt3A_69, %select_n3A_62, %select_n3A_73 : vector<64x256xi1>, vector<64x256xf32>
    %select_n3A_75 = arith.select %gt3A_70, %add3A_68, %select_n3A_59 : vector<64x256xi1>, vector<64x256xf32>
    %select_n3A_76 = arith.select %gt3A_69, %select_n3A_63, %select_n3A_75 : vector<64x256xi1>, vector<64x256xf32>
    %jit3A_77 = arith.constant 2.000000e+00 : f32
    %broadcast_in_dim3A_78 = vector.broadcast %jit3A_77 : f32 to vector<64x256xf32>
    %select_n3A_79 = arith.select %gt3A_69, %broadcast_in_dim3A_78, %select_n3A_62 : vector<64x256xi1>, vector<64x256xf32>
    %select_n3A_80 = arith.select %gt3A_69, %add3A_68, %select_n3A_63 : vector<64x256xi1>, vector<64x256xf32>
    %slice3A_81 = vector.extract_strided_slice %get3A_25 {offsets = [3, 0], sizes = [1, 256], strides = [1, 1]} : vector<8x256xf32> to vector<1x256xf32>
    %slice3A_82 = vector.extract_strided_slice %get3A_20 {offsets = [0, 3], sizes = [64, 1], strides = [1, 1]} : vector<64x8xf32> to vector<64x1xf32>
    %add3A_83 = vector.broadcast %slice3A_81 : vector<1x256xf32> to vector<64x256xf32>
    %add3A_84 = vector.broadcast %slice3A_82 : vector<64x1xf32> to vector<64x256xf32>
    %add3A_85 = arith.addf %add3A_83, %add3A_84 : vector<64x256xf32>
    %gt3A_86 = arith.cmpf ogt, %add3A_85, %select_n3A_80 : vector<64x256xf32>
    %gt3A_87 = arith.cmpf ogt, %add3A_85, %select_n3A_76 : vector<64x256xf32>
    %jit3A_88 = arith.constant 3.000000e+00 : f32
    %broadcast_in_dim3A_89 = vector.broadcast %jit3A_88 : f32 to vector<64x256xf32>
    %select_n3A_90 = arith.select %gt3A_87, %broadcast_in_dim3A_89, %select_n3A_74 : vector<64x256xi1>, vector<64x256xf32>
    %select_n3A_91 = arith.select %gt3A_86, %select_n3A_79, %select_n3A_90 : vector<64x256xi1>, vector<64x256xf32>
    %select_n3A_92 = arith.select %gt3A_87, %add3A_85, %select_n3A_76 : vector<64x256xi1>, vector<64x256xf32>
    %select_n3A_93 = arith.select %gt3A_86, %select_n3A_80, %select_n3A_92 : vector<64x256xi1>, vector<64x256xf32>
    %jit3A_94 = arith.constant 3.000000e+00 : f32
    %broadcast_in_dim3A_95 = vector.broadcast %jit3A_94 : f32 to vector<64x256xf32>
    %select_n3A_96 = arith.select %gt3A_86, %broadcast_in_dim3A_95, %select_n3A_79 : vector<64x256xi1>, vector<64x256xf32>
    %select_n3A_97 = arith.select %gt3A_86, %add3A_85, %select_n3A_80 : vector<64x256xi1>, vector<64x256xf32>
    %slice3A_98 = vector.extract_strided_slice %get3A_25 {offsets = [4, 0], sizes = [1, 256], strides = [1, 1]} : vector<8x256xf32> to vector<1x256xf32>
    %slice3A_99 = vector.extract_strided_slice %get3A_20 {offsets = [0, 4], sizes = [64, 1], strides = [1, 1]} : vector<64x8xf32> to vector<64x1xf32>
    %add3A_100 = vector.broadcast %slice3A_98 : vector<1x256xf32> to vector<64x256xf32>
    %add3A_101 = vector.broadcast %slice3A_99 : vector<64x1xf32> to vector<64x256xf32>
    %add3A_102 = arith.addf %add3A_100, %add3A_101 : vector<64x256xf32>
    %gt3A_103 = arith.cmpf ogt, %add3A_102, %select_n3A_97 : vector<64x256xf32>
    %gt3A_104 = arith.cmpf ogt, %add3A_102, %select_n3A_93 : vector<64x256xf32>
    %jit3A_105 = arith.constant 4.000000e+00 : f32
    %broadcast_in_dim3A_106 = vector.broadcast %jit3A_105 : f32 to vector<64x256xf32>
    %select_n3A_107 = arith.select %gt3A_104, %broadcast_in_dim3A_106, %select_n3A_91 : vector<64x256xi1>, vector<64x256xf32>
    %select_n3A_108 = arith.select %gt3A_103, %select_n3A_96, %select_n3A_107 : vector<64x256xi1>, vector<64x256xf32>
    %select_n3A_109 = arith.select %gt3A_104, %add3A_102, %select_n3A_93 : vector<64x256xi1>, vector<64x256xf32>
    %select_n3A_110 = arith.select %gt3A_103, %select_n3A_97, %select_n3A_109 : vector<64x256xi1>, vector<64x256xf32>
    %jit3A_111 = arith.constant 4.000000e+00 : f32
    %broadcast_in_dim3A_112 = vector.broadcast %jit3A_111 : f32 to vector<64x256xf32>
    %select_n3A_113 = arith.select %gt3A_103, %broadcast_in_dim3A_112, %select_n3A_96 : vector<64x256xi1>, vector<64x256xf32>
    %select_n3A_114 = arith.select %gt3A_103, %add3A_102, %select_n3A_97 : vector<64x256xi1>, vector<64x256xf32>
    %slice3A_115 = vector.extract_strided_slice %get3A_25 {offsets = [5, 0], sizes = [1, 256], strides = [1, 1]} : vector<8x256xf32> to vector<1x256xf32>
    %slice3A_116 = vector.extract_strided_slice %get3A_20 {offsets = [0, 5], sizes = [64, 1], strides = [1, 1]} : vector<64x8xf32> to vector<64x1xf32>
    %add3A_117 = vector.broadcast %slice3A_115 : vector<1x256xf32> to vector<64x256xf32>
    %add3A_118 = vector.broadcast %slice3A_116 : vector<64x1xf32> to vector<64x256xf32>
    %add3A_119 = arith.addf %add3A_117, %add3A_118 : vector<64x256xf32>
    %gt3A_120 = arith.cmpf ogt, %add3A_119, %select_n3A_114 : vector<64x256xf32>
    %gt3A_121 = arith.cmpf ogt, %add3A_119, %select_n3A_110 : vector<64x256xf32>
    %jit3A_122 = arith.constant 5.000000e+00 : f32
    %broadcast_in_dim3A_123 = vector.broadcast %jit3A_122 : f32 to vector<64x256xf32>
    %select_n3A_124 = arith.select %gt3A_121, %broadcast_in_dim3A_123, %select_n3A_108 : vector<64x256xi1>, vector<64x256xf32>
    %select_n3A_125 = arith.select %gt3A_120, %select_n3A_113, %select_n3A_124 : vector<64x256xi1>, vector<64x256xf32>
    %select_n3A_126 = arith.select %gt3A_121, %add3A_119, %select_n3A_110 : vector<64x256xi1>, vector<64x256xf32>
    %select_n3A_127 = arith.select %gt3A_120, %select_n3A_114, %select_n3A_126 : vector<64x256xi1>, vector<64x256xf32>
    %jit3A_128 = arith.constant 5.000000e+00 : f32
    %broadcast_in_dim3A_129 = vector.broadcast %jit3A_128 : f32 to vector<64x256xf32>
    %select_n3A_130 = arith.select %gt3A_120, %broadcast_in_dim3A_129, %select_n3A_113 : vector<64x256xi1>, vector<64x256xf32>
    %select_n3A_131 = arith.select %gt3A_120, %add3A_119, %select_n3A_114 : vector<64x256xi1>, vector<64x256xf32>
    %slice3A_132 = vector.extract_strided_slice %get3A_25 {offsets = [6, 0], sizes = [1, 256], strides = [1, 1]} : vector<8x256xf32> to vector<1x256xf32>
    %slice3A_133 = vector.extract_strided_slice %get3A_20 {offsets = [0, 6], sizes = [64, 1], strides = [1, 1]} : vector<64x8xf32> to vector<64x1xf32>
    %add3A_134 = vector.broadcast %slice3A_132 : vector<1x256xf32> to vector<64x256xf32>
    %add3A_135 = vector.broadcast %slice3A_133 : vector<64x1xf32> to vector<64x256xf32>
    %add3A_136 = arith.addf %add3A_134, %add3A_135 : vector<64x256xf32>
    %gt3A_137 = arith.cmpf ogt, %add3A_136, %select_n3A_131 : vector<64x256xf32>
    %gt3A_138 = arith.cmpf ogt, %add3A_136, %select_n3A_127 : vector<64x256xf32>
    %jit3A_139 = arith.constant 6.000000e+00 : f32
    %broadcast_in_dim3A_140 = vector.broadcast %jit3A_139 : f32 to vector<64x256xf32>
    %select_n3A_141 = arith.select %gt3A_138, %broadcast_in_dim3A_140, %select_n3A_125 : vector<64x256xi1>, vector<64x256xf32>
    %select_n3A_142 = arith.select %gt3A_137, %select_n3A_130, %select_n3A_141 : vector<64x256xi1>, vector<64x256xf32>
    %select_n3A_143 = arith.select %gt3A_138, %add3A_136, %select_n3A_127 : vector<64x256xi1>, vector<64x256xf32>
    %select_n3A_144 = arith.select %gt3A_137, %select_n3A_131, %select_n3A_143 : vector<64x256xi1>, vector<64x256xf32>
    %jit3A_145 = arith.constant 6.000000e+00 : f32
    %broadcast_in_dim3A_146 = vector.broadcast %jit3A_145 : f32 to vector<64x256xf32>
    %select_n3A_147 = arith.select %gt3A_137, %broadcast_in_dim3A_146, %select_n3A_130 : vector<64x256xi1>, vector<64x256xf32>
    %select_n3A_148 = arith.select %gt3A_137, %add3A_136, %select_n3A_131 : vector<64x256xi1>, vector<64x256xf32>
    %slice3A_149 = vector.extract_strided_slice %get3A_25 {offsets = [7, 0], sizes = [1, 256], strides = [1, 1]} : vector<8x256xf32> to vector<1x256xf32>
    %slice3A_150 = vector.extract_strided_slice %get3A_20 {offsets = [0, 7], sizes = [64, 1], strides = [1, 1]} : vector<64x8xf32> to vector<64x1xf32>
    %add3A_151 = vector.broadcast %slice3A_149 : vector<1x256xf32> to vector<64x256xf32>
    %add3A_152 = vector.broadcast %slice3A_150 : vector<64x1xf32> to vector<64x256xf32>
    %add3A_153 = arith.addf %add3A_151, %add3A_152 : vector<64x256xf32>
    %gt3A_154 = arith.cmpf ogt, %add3A_153, %select_n3A_148 : vector<64x256xf32>
    %gt3A_155 = arith.cmpf ogt, %add3A_153, %select_n3A_144 : vector<64x256xf32>
    %jit3A_156 = arith.constant 7.000000e+00 : f32
    %broadcast_in_dim3A_157 = vector.broadcast %jit3A_156 : f32 to vector<64x256xf32>
    %select_n3A_158 = arith.select %gt3A_155, %broadcast_in_dim3A_157, %select_n3A_142 : vector<64x256xi1>, vector<64x256xf32>
    %select_n3A_159 = arith.select %gt3A_154, %select_n3A_147, %select_n3A_158 : vector<64x256xi1>, vector<64x256xf32>
    %select_n3A_160 = arith.select %gt3A_155, %add3A_153, %select_n3A_144 : vector<64x256xi1>, vector<64x256xf32>
    %select_n3A_161 = arith.select %gt3A_154, %select_n3A_148, %select_n3A_160 : vector<64x256xi1>, vector<64x256xf32>
    %jit3A_162 = arith.constant 7.000000e+00 : f32
    %broadcast_in_dim3A_163 = vector.broadcast %jit3A_162 : f32 to vector<64x256xf32>
    %select_n3A_164 = arith.select %gt3A_154, %broadcast_in_dim3A_163, %select_n3A_147 : vector<64x256xi1>, vector<64x256xf32>
    %select_n3A_165 = arith.select %gt3A_154, %add3A_153, %select_n3A_148 : vector<64x256xi1>, vector<64x256xf32>
    %sub3A_166 = arith.subf %select_n3A_161, %select_n3A_165 : vector<64x256xf32>
    %exp3A = math.exp %sub3A_166 : vector<64x256xf32>
    %add3A_167 = arith.constant 1.000000e+00 : f32
    %add3A_168 = vector.broadcast %add3A_167 : f32 to vector<64x256xf32>
    %add3A_169 = arith.addf %add3A_168, %exp3A : vector<64x256xf32>
    %div3A_170 = arith.constant 1.000000e+00 : f32
    %div3A_171 = vector.broadcast %div3A_170 : f32 to vector<64x256xf32>
    %div3A_172 = arith.divf %div3A_171, %add3A_169 : vector<64x256xf32>
    %sub3A_173 = arith.constant 1.000000e+00 : f32
    %sub3A_174 = vector.broadcast %sub3A_173 : f32 to vector<64x256xf32>
    %sub3A_175 = arith.subf %sub3A_174, %div3A_172 : vector<64x256xf32>
    %slice3A_176 = vector.extract_strided_slice %select_n3A_164 {offsets = [0, 255], sizes = [64, 1], strides = [1, 1]} : vector<64x256xf32> to vector<64x1xf32>
    %slice3A_177 = vector.extract_strided_slice %select_n3A_159 {offsets = [0, 255], sizes = [64, 1], strides = [1, 1]} : vector<64x256xf32> to vector<64x1xf32>
    %slice3A_178 = vector.extract_strided_slice %div3A_172 {offsets = [0, 255], sizes = [64, 1], strides = [1, 1]} : vector<64x256xf32> to vector<64x1xf32>
    %slice3A_179 = vector.extract_strided_slice %sub3A_175 {offsets = [0, 255], sizes = [64, 1], strides = [1, 1]} : vector<64x256xf32> to vector<64x1xf32>
    %eq3A_180 = vector.broadcast %slice3A_176 : vector<64x1xf32> to vector<64x256xf32>
    %eq3A_181 = arith.cmpf oeq, %select_n3A_164, %eq3A_180 : vector<64x256xf32>
    %convert_element_type3A_182 = arith.extui %eq3A_181 : vector<64x256xi1> to vector<64x256xi32>
    %convert_element_type3A_183 = arith.sitofp %convert_element_type3A_182 : vector<64x256xi32> to vector<64x256xf32>
    %mul3A_184 = arith.mulf %div3A_172, %convert_element_type3A_183 : vector<64x256xf32>
    %eq3A_185 = vector.broadcast %slice3A_176 : vector<64x1xf32> to vector<64x256xf32>
    %eq3A_186 = arith.cmpf oeq, %select_n3A_159, %eq3A_185 : vector<64x256xf32>
    %convert_element_type3A_187 = arith.extui %eq3A_186 : vector<64x256xi1> to vector<64x256xi32>
    %convert_element_type3A_188 = arith.sitofp %convert_element_type3A_187 : vector<64x256xi32> to vector<64x256xf32>
    %mul3A_189 = arith.mulf %sub3A_175, %convert_element_type3A_188 : vector<64x256xf32>
    %add3A_190 = arith.addf %mul3A_184, %mul3A_189 : vector<64x256xf32>
    %mul3A_191 = vector.broadcast %slice3A_178 : vector<64x1xf32> to vector<64x256xf32>
    %mul3A_192 = arith.mulf %mul3A_191, %add3A_190 : vector<64x256xf32>
    %eq3A_193 = vector.broadcast %slice3A_177 : vector<64x1xf32> to vector<64x256xf32>
    %eq3A_194 = arith.cmpf oeq, %select_n3A_164, %eq3A_193 : vector<64x256xf32>
    %convert_element_type3A_195 = arith.extui %eq3A_194 : vector<64x256xi1> to vector<64x256xi32>
    %convert_element_type3A_196 = arith.sitofp %convert_element_type3A_195 : vector<64x256xi32> to vector<64x256xf32>
    %mul3A_197 = arith.mulf %div3A_172, %convert_element_type3A_196 : vector<64x256xf32>
    %eq3A_198 = vector.broadcast %slice3A_177 : vector<64x1xf32> to vector<64x256xf32>
    %eq3A_199 = arith.cmpf oeq, %select_n3A_159, %eq3A_198 : vector<64x256xf32>
    %convert_element_type3A_200 = arith.extui %eq3A_199 : vector<64x256xi1> to vector<64x256xi32>
    %convert_element_type3A_201 = arith.sitofp %convert_element_type3A_200 : vector<64x256xi32> to vector<64x256xf32>
    %mul3A_202 = arith.mulf %sub3A_175, %convert_element_type3A_201 : vector<64x256xf32>
    %add3A_203 = arith.addf %mul3A_197, %mul3A_202 : vector<64x256xf32>
    %mul3A_204 = vector.broadcast %slice3A_179 : vector<64x1xf32> to vector<64x256xf32>
    %mul3A_205 = arith.mulf %mul3A_204, %add3A_203 : vector<64x256xf32>
    %add3A_206 = arith.addf %mul3A_192, %mul3A_205 : vector<64x256xf32>
    %get3A_207 = arith.index_cast %mul3A_2 : i32 to index
    %get3A_208 = arith.constant 0 : index
    %get3A_209 = vector.load %arg11[%get3A_207, %get3A_208] : memref<256x256xf32, #tpu.memory_space<vmem>>, vector<64x256xf32>
    %mul3A_210 = arith.constant 256 : i32
    %mul3A_211 = arith.muli %select_n3A, %mul3A_210 : i32
    %get3A_212 = arith.index_cast %mul3A_211 : i32 to index
    %get3A_213 = arith.constant 0 : index
    %get3A_214 = vector.load %arg15[%get3A_212, %get3A_213] : memref<512x256xf32, #tpu.memory_space<vmem>>, vector<256x256xf32>
    %mul3A_215 = arith.constant 256 : i32
    %mul3A_216 = arith.muli %select_n3A, %mul3A_215 : i32
    %get3A_217 = arith.index_cast %mul3A_216 : i32 to index
    %get3A_218 = arith.constant 0 : index
    %get3A_219 = vector.load %arg16[%get3A_217, %get3A_218] : memref<512x256xf32, #tpu.memory_space<vmem>>, vector<256x256xf32>
    %get3A_220 = arith.index_cast %mul3A_2 : i32 to index
    %get3A_221 = arith.constant 0 : index
    %get3A_222 = vector.load %arg14[%get3A_220, %get3A_221] : memref<256x256xf32, #tpu.memory_space<vmem>>, vector<64x256xf32>
    %get3A_223 = arith.index_cast %mul3A_2 : i32 to index
    %get3A_224 = arith.constant 0 : index
    %get3A_225 = vector.load %arg12[%get3A_223, %get3A_224] : memref<256x256xf32, #tpu.memory_space<vmem>>, vector<64x256xf32>
    %broadcast_in_dim3A_226 = vector.shape_cast %get3A_209 : vector<64x256xf32> to vector<64x1x256xf32>
    %broadcast_in_dim3A_227 = vector.shape_cast %get3A_214 : vector<256x256xf32> to vector<1x256x256xf32>
    %add3A_228 = vector.broadcast %broadcast_in_dim3A_226 : vector<64x1x256xf32> to vector<64x256x256xf32>
    %add3A_229 = vector.broadcast %broadcast_in_dim3A_227 : vector<1x256x256xf32> to vector<64x256x256xf32>
    %add3A_230 = arith.addf %add3A_228, %add3A_229 : vector<64x256x256xf32>
    %gt3A_231 = arith.constant 0.000000e+00 : f32
    %gt3A_232 = vector.broadcast %gt3A_231 : f32 to vector<64x256x256xf32>
    %gt3A_233 = arith.cmpf ogt, %add3A_230, %gt3A_232 : vector<64x256x256xf32>
    %add3A_234 = arith.constant 1.000000e+00 : f32
    %add3A_235 = vector.broadcast %add3A_234 : f32 to vector<64x256x256xf32>
    %add3A_236 = arith.addf %add3A_230, %add3A_235 : vector<64x256x256xf32>
    %exp3A_237 = math.exp %add3A_230 : vector<64x256x256xf32>
    %select_n3A_238 = arith.select %gt3A_233, %add3A_236, %exp3A_237 : vector<64x256x256xi1>, vector<64x256x256xf32>
    %iota3A = tpu.iota {dimensions = array<i32: 0>} : vector<256x4xi32>
    %iota3A_239 = tpu.iota {dimensions = array<i32: 1>} : vector<256x4xi32>
    %jit3A_240 = arith.constant 64 : i32
    %div3A_241 = vector.broadcast %jit3A_240 : i32 to vector<256x4xi32>
    %div3A_242 = arith.divsi %iota3A, %div3A_241 : vector<256x4xi32>
    %sign3A_243 = arith.constant 0 : i32
    %sign3A_244 = vector.broadcast %sign3A_243 : i32 to vector<256x4xi32>
    %sign3A_245 = arith.cmpi sgt, %iota3A, %sign3A_244 : vector<256x4xi32>
    %sign3A_246 = arith.extui %sign3A_245 : vector<256x4xi1> to vector<256x4xi32>
    %sign3A_247 = arith.constant 0 : i32
    %sign3A_248 = vector.broadcast %sign3A_247 : i32 to vector<256x4xi32>
    %sign3A_249 = arith.cmpi slt, %iota3A, %sign3A_248 : vector<256x4xi32>
    %sign3A_250 = arith.extui %sign3A_249 : vector<256x4xi1> to vector<256x4xi32>
    %sign3A_251 = arith.subi %sign3A_246, %sign3A_250 : vector<256x4xi32>
    %sign3A_252 = arith.constant 0 : i32
    %sign3A_253 = arith.cmpi sgt, %jit3A_240, %sign3A_252 : i32
    %sign3A_254 = arith.extui %sign3A_253 : i1 to i32
    %sign3A_255 = arith.constant 0 : i32
    %sign3A_256 = arith.cmpi slt, %jit3A_240, %sign3A_255 : i32
    %sign3A_257 = arith.extui %sign3A_256 : i1 to i32
    %sign3A_258 = arith.subi %sign3A_254, %sign3A_257 : i32
    %ne3A_259 = vector.broadcast %sign3A_258 : i32 to vector<256x4xi32>
    %ne3A_260 = arith.cmpi ne, %sign3A_251, %ne3A_259 : vector<256x4xi32>
    %rem3A_261 = vector.broadcast %jit3A_240 : i32 to vector<256x4xi32>
    %rem3A_262 = arith.remsi %iota3A, %rem3A_261 : vector<256x4xi32>
    %ne3A_263 = arith.constant 0 : i32
    %ne3A_264 = vector.broadcast %ne3A_263 : i32 to vector<256x4xi32>
    %ne3A_265 = arith.cmpi ne, %rem3A_262, %ne3A_264 : vector<256x4xi32>
    %and3A_266 = arith.andi %ne3A_260, %ne3A_265 : vector<256x4xi1>
    %sub3A_267 = arith.constant 1 : i32
    %sub3A_268 = vector.broadcast %sub3A_267 : i32 to vector<256x4xi32>
    %sub3A_269 = arith.subi %div3A_242, %sub3A_268 : vector<256x4xi32>
    %select_n3A_270 = arith.select %and3A_266, %sub3A_269, %div3A_242 : vector<256x4xi1>, vector<256x4xi32>
    %eq3A_271 = arith.cmpi eq, %select_n3A_270, %iota3A_239 : vector<256x4xi32>
    %convert_element_type3A_272 = arith.extui %eq3A_271 : vector<256x4xi1> to vector<256x4xi32>
    %convert_element_type3A_273 = arith.sitofp %convert_element_type3A_272 : vector<256x4xi32> to vector<256x4xf32>
    %broadcast_in_dim3A_274 = vector.shape_cast %get3A_222 : vector<64x256xf32> to vector<64x1x256xf32>
    %mul3A_275 = vector.broadcast %broadcast_in_dim3A_274 : vector<64x1x256xf32> to vector<64x256x256xf32>
    %mul3A_276 = arith.mulf %select_n3A_238, %mul3A_275 : vector<64x256x256xf32>
    %broadcast_in_dim3A_277 = vector.shape_cast %add3A_206 : vector<64x256xf32> to vector<64x256x1xf32>
    %mul3A_278 = vector.broadcast %broadcast_in_dim3A_277 : vector<64x256x1xf32> to vector<64x256x256xf32>
    %mul3A_279 = arith.mulf %mul3A_276, %mul3A_278 : vector<64x256x256xf32>
    %reshape3A = vector.shape_cast %mul3A_279 : vector<64x256x256xf32> to vector<16384x256xf32>
    %dot_general3A = arith.constant dense<0.000000e+00> : vector<16384x4xf32>
    %dot_general3A_280 = tpu.matmul %reshape3A, %convert_element_type3A_273, %dot_general3A {dimension_numbers = #tpu.dot_dimension_numbers<[1], [0], [0], [1], [0, 0, 1, 1], [], []>, transpose_lhs_hint = false} : vector<16384x256xf32>, vector<256x4xf32>, vector<16384x4xf32> -> vector<16384x4xf32>
    %transpose3A = tpu.transpose %convert_element_type3A_273, [1, 0] : vector<256x4xf32> -> vector<4x256xf32>
    %dot_general3A_281 = arith.constant dense<0.000000e+00> : vector<16384x256xf32>
    %dot_general3A_282 = tpu.matmul %dot_general3A_280, %transpose3A, %dot_general3A_281 {dimension_numbers = #tpu.dot_dimension_numbers<[1], [0], [0], [1], [0, 0, 1, 1], [], []>, transpose_lhs_hint = false} : vector<16384x4xf32>, vector<4x256xf32>, vector<16384x256xf32> -> vector<16384x256xf32>
    %reshape3A_283 = vector.shape_cast %dot_general3A_282 : vector<16384x256xf32> to vector<64x256x256xf32>
    %reduce_sum3A = arith.constant dense<0.000000e+00> : vector<64x256xf32>
    %reduce_sum3A_284 = vector.multi_reduction <add>, %reshape3A_283, %reduce_sum3A [1] : vector<64x256x256xf32> to vector<64x256xf32>
    %broadcast_in_dim3A_285 = vector.shape_cast %get3A_219 : vector<256x256xf32> to vector<1x256x256xf32>
    %mul3A_286 = vector.broadcast %broadcast_in_dim3A_285 : vector<1x256x256xf32> to vector<64x256x256xf32>
    %mul3A_287 = arith.mulf %reshape3A_283, %mul3A_286 : vector<64x256x256xf32>
    %reduce_sum3A_288 = arith.constant dense<0.000000e+00> : vector<64x256xf32>
    %reduce_sum3A_289 = vector.multi_reduction <add>, %mul3A_287, %reduce_sum3A_288 [1] : vector<64x256x256xf32> to vector<64x256xf32>
    %mul3A_290 = arith.mulf %reduce_sum3A_284, %get3A_225 : vector<64x256xf32>
    %add3A_291 = arith.addf %reduce_sum3A_289, %mul3A_290 : vector<64x256xf32>
    %add3A_292 = arith.constant 9.99999997E-7 : f32
    %add3A_293 = vector.broadcast %add3A_292 : f32 to vector<64x256xf32>
    %add3A_294 = arith.addf %reduce_sum3A_284, %add3A_293 : vector<64x256xf32>
    %div3A_295 = arith.divf %add3A_291, %add3A_294 : vector<64x256xf32>
    %get3A_296 = arith.constant 0 : index
    %get3A_297 = arith.constant 0 : index
    %get3A_298 = vector.load %arg8[%get3A_296, %get3A_297] : memref<256x256xf32, #tpu.memory_space<vmem>>, vector<256x256xf32>
    %dot_general3A_299 = arith.constant dense<0.000000e+00> : vector<64x256xf32>
    %dot_general3A_300 = tpu.matmul %div3A_295, %get3A_298, %dot_general3A_299 {dimension_numbers = #tpu.dot_dimension_numbers<[1], [0], [0], [1], [0, 0, 1, 1], [], []>, transpose_lhs_hint = false} : vector<64x256xf32>, vector<256x256xf32>, vector<64x256xf32> -> vector<64x256xf32>
    %swap3A = arith.constant 0 : index
    %swap3A_301 = arith.constant 0 : index
    %swap3A_302 = vector.load %arg10[%swap3A, %swap3A_301] : memref<64x256xf32, #tpu.memory_space<vmem>>, vector<64x256xf32>
    tpu.vector_store %arg10[%swap3A, %swap3A_301], %dot_general3A_300 {strides = array<i32>} : memref<64x256xf32, #tpu.memory_space<vmem>>, vector<64x256xf32>,
    return
  }
  func.func @transform_0(%arg0: i32) -> (i32, i32) {
    %c0_i32 = arith.constant 0 : i32
    %c0_i32_0 = arith.constant 0 : i32
    %c0_i32_1 = arith.constant 0 : i32
    return %c0_i32, %c0_i32_0 : i32, i32
  }
  func.func @transform_1(%arg0: i32) -> (i32, i32) {
    %c0_i32 = arith.constant 0 : i32
    %c0_i32_0 = arith.constant 0 : i32
    %c0_i32_1 = arith.constant 0 : i32
    return %c0_i32, %c0_i32_0 : i32, i32
  }
  func.func @transform_2(%arg0: i32) -> (i32, i32) {
    %c0_i32 = arith.constant 0 : i32
    %c0_i32_0 = arith.constant 0 : i32
    %c0_i32_1 = arith.constant 0 : i32
    return %c0_i32, %c0_i32_0 : i32, i32
  }
  func.func @transform_3(%arg0: i32) -> (i32, i32) {
    %c0_i32 = arith.constant 0 : i32
    %c0_i32_0 = arith.constant 0 : i32
    %c0_i32_1 = arith.constant 0 : i32
    return %c0_i32, %c0_i32_0 : i32, i32
  }
  func.func @transform_4(%arg0: i32) -> (i32, i32) {
    %c0_i32 = arith.constant 0 : i32
    %c0_i32_0 = arith.constant 0 : i32
    %c0_i32_1 = arith.constant 0 : i32
    return %c0_i32, %c0_i32_0 : i32, i32
  }
  func.func @transform_5(%arg0: i32) -> (i32, i32) {
    %c0_i32 = arith.constant 0 : i32
    %c0_i32_0 = arith.constant 0 : i32
    %c0_i32_1 = arith.constant 0 : i32
    return %c0_i32, %c0_i32_0 : i32, i32
  }
  func.func @transform_6(%arg0: i32) -> (i32, i32) {
    %c0_i32 = arith.constant 0 : i32
    %c0_i32_0 = arith.constant 0 : i32
    %c0_i32_1 = arith.constant 0 : i32
    return %c0_i32, %c0_i32_0 : i32, i32
  }
  func.func @transform_7(%arg0: i32) -> (i32, i32) {
    %c0_i32 = arith.constant 0 : i32
    %c0_i32_0 = arith.constant 0 : i32
    %c0_i32_1 = arith.constant 0 : i32
    return %c0_i32, %c0_i32_0 : i32, i32
  }
  func.func @transform_8(%arg0: i32) -> (i32, i32) {
    %c0_i32 = arith.constant 0 : i32
    %c0_i32_0 = arith.constant 0 : i32
    %c0_i32_1 = arith.constant 0 : i32
    return %c0_i32, %c0_i32_0 : i32, i32
  }
  func.func @transform_9(%arg0: i32) -> (i32, i32) {
    %c0_i32 = arith.constant 0 : i32
    %c0_i32_0 = arith.constant 0 : i32
    return %arg0, %c0_i32 : i32, i32
  }
}

</mosaic_0001>

<sc_bundles>
// kernel: _run.5.cloned.1.call-start
scs
__scs_entry_jumppad:
0x0: {  	(pc) =	sbr.rel $0x88, $3  }
0x1: {  	(tag) =	ssettag $0x0;
	lr =	simm.s32 $0x1  }
0x2: {  	[smem:$0x3F99] =	sst lr;
	_ =	strace $0xD0000000  }
0x3: {  	_ = 	snop  }
0x4: {  	_ = 	snop  }
0x5: {  	_ = 	snop  }
0x6: {  	_ = 	snop  }
0x7: {  	_ = 	snop  }
__scs_overlays_trampoline_lowered:
0x8: {  	[smem:$0x3FA8] =	sst s0  }
0x9: {  	[smem:$0x3FA9] =	sst s1  }
0xa: {  	[smem:$0x3FAA] =	sst s2  }
0xb: {  	[smem:$0x3FAB] =	sst s3  }
0xc: {  	[smem:$0x3FAC] =	sst s4  }
0xd: {  	[smem:$0x3FAD] =	sst s5  }
0xe: {  	[smem:$0x3FAE] =	sst s6  }
0xf: {  	[smem:$0x3FAF] =	sst s7  }
0x10: {  	[smem:$0x3FB0] =	sst s8  }
0x11: {  	[smem:$0x3FB1] =	sst s9;
	s0 =	simm.s32 @!p0 $0x0  }
0x12: {  	s1 =	sld [smem:$0x3F97];
	s0 =	simm.s32 @p0 $0x1  }
0x13: {  	[smem:$0x3FB2] =	sst s0;
	s0 =	simm.s32 @!p1 $0x0  }
0x14: {  	s2 =	sld [smem:$0x3F96];
	s0 =	simm.s32 @p1 $0x1  }
0x15: {  	[smem:$0x3FB3] =	sst s0;
	s0 =	simm.s32 @!p2 $0x0  }
0x16: {  	s3 =	sld [smem:$0x3FDB];
	s0 =	simm.s32 @p2 $0x1  }
0x17: {  	s4 =	simm.s32 $0x1BF5;
	[smem:$0x3FB5] =	sst s0  }
0x18: {  	s0 =	sld [smem:$0x3F98];
	_ =	swait.ge [sflag:s4], $0x0  }
0x19: {  	s7 =	sld [smem:$0x3F99]  }
0x1a: {  	s8 =	sadd.s32 $0xFFFFE003, lr  }
0x1b: {  	s9 =	sadd.s32 $0xFFFFFEF7, lr;
	s5 =	simm.s32 $0xFFFFFFFF;
	p2 =	slt.u32 s8, $0xFFFFF086  }
0x1c: {  	p1 =	slt.u32 s9, $0xF7A;
	s5 =	simm.s32 @!p2 $0x0  }
0x1d: {  	s5 =	simm.s32 @p1 $0x1;
	p0 =	seq.s32 s7, s2  }
0x1e: {  	s7 =	smul.u32 @!p0 $0xF7A, s2;
	p2 =	seq.s32 @!p0 s5, $0x0  }
0x1f: {  	s9 =	smul.u32 $0xF7A, s1;
	s8 =	simm.s32 @!p0 $0x1BF5;
	p2 =	por !p2, p0  }
0x20: {  	[sflag:s8] =	ssyncset.s32 @!p0 $0xFFFFF086;
	s6 =	sadd.s32 @!p0 s3, s7;
	s7 =	simm.s32 @!p0 $0x108  }
0x21: {  	s3 =	sadd.s32 s3, s9;
	s6 =	sadd.s32 @!p0 $0x88, s6;
	s7 =	simm.s32 @p2 $0x1082  }
0x22: {  	[simem:s7], [sflag:s8] =	dma.local @!p0 [hbm:s6], $0xF7A  }
0x23: {  	s9 =	sor.u32 $0xD0000000, s2;
	s6 =	simm.s32 $0x108;
	_ =	swait.ge @!p0 [sflag:s8], $0x0  }
0x24: {  	s3 =	sadd.s32 $0x88, s3;
	s6 =	simm.s32 @!p1 $0x1082;
	[sflag:s4] =	ssyncset.s32 $0xFFFFF086  }
0x25: {  	[simem:s6], [sflag:s4] =	dma.local [hbm:s3], $0xF7A  }
0x26: {  	[smem:$0x3F99] =	sst s1;
	(tag) =	ssettag s2;
	_ =	strace s9  }
0x27: {  	s1 =	sld [smem:$0x3FA9]  }
0x28: {  	s2 =	sld [smem:$0x3FAA]  }
0x29: {  	s4 =	sld [smem:$0x3FAC]  }
0x2a: {  	p0 =	seq.s32 s5, $0x0;
	s5 =	sld [smem:$0x3FAD]  }
0x2b: {  	s6 =	sld [smem:$0x3FAE]  }
0x2c: {  	s7 =	sld [smem:$0x3FAF]  }
0x2d: {  	s3 =	simm.s32 $0x108;
	s8 =	sld [smem:$0x3FB0]  }
0x2e: {  	s3 =	simm.s32 @!p0 $0x1082;
	s9 =	sld [smem:$0x3FB1]  }
0x2f: {  	lr =	sadd.s32 s0, s3;
	s0 =	sld [smem:$0x3FA8]  }
0x30: {  	s3 =	sld [smem:$0x3FAB]  }
0x31: {  	[smem:$0x3FB4] =	sst s10  }
0x32: {  	s10 =	sld [smem:$0x3FB2];
	_ =	sdelay $0x3  }
0x33: {  	p0 =	seq.s32 s10, $0x1;
	s10 =	sld [smem:$0x3FB4];
	_ =	sdelay $0x3  }
0x34: {  	[smem:$0x3FB4] =	sst s10  }
0x35: {  	s10 =	sld [smem:$0x3FB3];
	_ =	sdelay $0x3  }
0x36: {  	p1 =	seq.s32 s10, $0x1;
	s10 =	sld [smem:$0x3FB4];
	_ =	sdelay $0x3  }
0x37: {  	[smem:$0x3FB4] =	sst s10  }
0x38: {  	s10 =	sld [smem:$0x3FB5]  }
0x39: {  	_ = 	snop;
	(pc) =	sbr.ind lr, $3  }
0x3a: {  	_ = 	snop  }
0x3b: {  	_ = 	snop  }
0x3c: {  	p2 =	seq.s32 s10, $0x1;
	s10 =	sld [smem:$0x3FB4]  }
0x3d: {  	_ =	shalt  }
0x3e: {  	_ =	shalt  }
0x3f: {  	_ =	shalt  }
0x40: {  	_ =	shalt  }
0x41: {  	_ =	shalt  }
0x42: {  	_ =	shalt  }
0x43: {  	_ =	shalt  }
0x44: {  	_ =	shalt  }
0x45: {  	_ =	shalt  }
0x46: {  	_ =	shalt  }
0x47: {  	_ =	shalt  }
0x48: {  	_ =	shalt  }
0x49: {  	_ =	shalt  }
0x4a: {  	_ =	shalt  }
0x4b: {  	_ =	shalt  }
0x4c: {  	_ =	shalt  }
0x4d: {  	_ =	shalt  }
0x4e: {  	_ =	shalt  }
0x4f: {  	_ =	shalt  }
0x50: {  	_ =	shalt  }
0x51: {  	_ =	shalt  }
0x52: {  	_ =	shalt  }
0x53: {  	_ =	shalt  }
0x54: {  	_ =	shalt  }
0x55: {  	_ =	shalt  }
0x56: {  	_ =	shalt  }
0x57: {  	_ =	shalt  }
0x58: {  	_ =	shalt  }
0x59: {  	_ =	shalt  }
0x5a: {  	_ =	shalt  }
0x5b: {  	_ =	shalt  }
0x5c: {  	_ =	shalt  }
0x5d: {  	_ =	shalt  }
0x5e: {  	_ =	shalt  }
0x5f: {  	_ =	shalt  }
0x60: {  	_ =	shalt  }
0x61: {  	_ =	shalt  }
0x62: {  	_ =	shalt  }
0x63: {  	_ =	shalt  }
0x64: {  	_ =	shalt  }
0x65: {  	_ =	shalt  }
0x66: {  	_ =	shalt  }
0x67: {  	_ =	shalt  }
0x68: {  	_ =	shalt  }
0x69: {  	_ =	shalt  }
0x6a: {  	_ =	shalt  }
0x6b: {  	_ =	shalt  }
0x6c: {  	_ =	shalt  }
0x6d: {  	_ =	shalt  }
0x6e: {  	_ =	shalt  }
0x6f: {  	_ =	shalt  }
0x70: {  	_ =	shalt  }
0x71: {  	_ =	shalt  }
0x72: {  	_ =	shalt  }
0x73: {  	_ =	shalt  }
0x74: {  	_ =	shalt  }
0x75: {  	_ =	shalt  }
0x76: {  	_ =	shalt  }
0x77: {  	_ =	shalt  }
0x78: {  	_ =	shalt  }
0x79: {  	_ =	shalt  }
0x7a: {  	_ =	shalt  }
0x7b: {  	_ =	shalt  }
0x7c: {  	_ =	shalt  }
0x7d: {  	_ =	shalt  }
0x7e: {  	_ =	shalt  }
0x7f: {  	_ =	shalt  }
0x80: {  	_ =	shalt  }
0x81: {  	_ =	shalt  }
0x82: {  	_ =	shalt  }
0x83: {  	_ =	shalt  }
0x84: {  	_ =	shalt  }
0x85: {  	_ =	shalt  }
0x86: {  	_ =	shalt  }
0x87: {  	_ =	shalt  }
.Lfunc_end0:
.L_simem_size_0:
called_computation_lowered:
.L_overlay_start_0:
0x88: {  	s2 =	sld [smem:$0x3FD9]  }
0x89: {  	s3 =	sld [smem:$0x3FFE];
	_ =	sdelay $0x1  }
0x8a: {  	s1 =	srdreg.scid  }
0x8b: {  	s0 =	sand.u32 $0x1, s1  }
0x8c: {  	s14 =	sshll.u32 s0, $0xA;
	s2 =	sadd.s32 s3, s2  }
0x8d: {  	s2 =	sadd.s32 s2, s14  }
0x8e: {  	[smem:$0x3FC0] =	sst s2  }
0x8f: {  	_ = 	snop  }
0x90: {  	s2 =	sld [smem:$0x3FD0];
	_ =	sdelay $0x2  }
0x91: {  	s15 =	simm.s32 $0xA;
	s4 =	simm.s32 $0x10  }
0x92: {  	[smem:s4], [sflag:s15] =	dma.local [hbm:s2], $0x1  }
0x93: {  	_ =	swait.eq [sflag:s15], $0x1  }
0x94: {  	[sflag:s15] =	ssyncset.done $0x0  }
0x95: {  	[sflag:s15] =	ssyncadd.s32 $0xFFFFFFFF  }
0x96: {  	s16 =	sld [smem:$0x11];
	(tm) =	ssettm $0x1  }
0x97: {  	s17 =	sld [smem:$0x3FFB];
	_ =	sdelay $0x3  }
0x98: {  	_ =	strace s17  }
0x99: {  	s3 =	sld [smem:$0x3FFC];
	_ =	sdelay $0x3  }
0x9a: {  	_ =	strace s3  }
0x9b: {  	s3 =	sld [smem:$0x3FFD];
	_ =	sdelay $0x3  }
0x9c: {  	_ =	strace s3  }
0x9d: {  	_ =	strace $0x8FFFFFFF  }
0x9e: {  	s18 =	sld [smem:$0x3FDB];
	_ =	sdelay $0x1  }
0x9f: {  	s19 =	simm.s32 $_scs_section_size  }
0xa0: {  	s5 =	simm.s32 $_size__tile_overlayer_lowered;
	s6 =	simm.s32 $_tile_overlayer_lowered  }
0xa1: {  	s22 =	simm.s32 $0x1BFF;
	s21 =	sshll.u32 s6, $0x1;
	s3 =	sadd.s32 s19, s18  }
0xa2: {  	s7 =	simm.s32 $0x0;
	s20 =	sshll.u32 s5, $0x1;
	s5 =	sadd.s32 s21, s3  }
0xa3: {  	[timem:s7], [sflag:s22] =	dma.local [hbm:s5], s20  }
0xa4: {  	_ =	swait.ge [sflag:s22], s20  }
0xa5: {  	s4 =	ssub.s32 $0x0, s20;
	[sflag:s22] =	ssyncset.done $0x0  }
0xa6: {  	[sflag:s22] =	ssyncadd.s32 s4;
	_ =	sdelay $0x1  }
0xa7: {  	s23 =	simm.s32 $0x1B8B  }
0xa8: {  	_ =	swait.ge [sflag:s23], $0x1  }
0xa9: {  	[sflag:s23] =	ssyncset.done $0x0  }
0xaa: {  	s25 =	simm.s32 $0x1B8E;
	s24 =	sld [smem:$0x3FFE];
	[sflag:s23] =	ssyncadd.s32 $0xFFFFFFFF  }
0xab: {  	s26 =	simm.s32 $execute0_lowered;
	[smem:$0x3FD2] =	sst s25  }
0xac: {  	s5 =	sshll.u32 s26, $0x1;
	_ =	strace $0x80000046;
	[dreg:$0x1] =	wrdreg $0xFFFFFFFF  }
0xad: {  	s28 =	simm.s32 $_size_execute0_lowered;
	s3 =	sadd.s32 s3, s5;
	[dreg:$0x0] =	wrdreg $0x0  }
0xae: {  	s5 =	sshll.u32 s28, $0x1;
	[dreg:$0x2] =	wrdreg s3  }
0xaf: {  	[dreg:$0x3] =	wrdreg s5  }
0xb0: {  	[dreg:$0x4] =	wrdreg $0xC0  }
0xb1: {  	_ =	task [dreg:s7], $0x5FFFF  }
0xb2: {  	[dreg:$0x1] =	wrdreg $0xFFFFFFFF  }
0xb3: {  	[dreg:$0x0] =	wrdreg $0x60  }
0xb4: {  	[dreg:$0x2] =	wrdreg s24  }
0xb5: {  	[dreg:$0x3] =	wrdreg s16  }
0xb6: {  	[dreg:$0x4] =	wrdreg $0x9  }
0xb7: {  	_ =	task.clear_ibuf [dreg:s7], $0x5FFFF;
	_ =	strace $0x90000046  }
0xb8: {  	s29 =	simm.s32 $0x9;
	_ =	strace $0x80000048  }
0xb9: {  	_ =	swait.ge [sflag:s29], $0x1  }
0xba: {  	[sflag:s29] =	ssyncadd.s32 $0xFFFFFFFF  }
0xbb: {  	_ =	strace $0x90000048  }
0xbc: {  	_ =	sfence  }
0xbd: {  	s30 =	sld [smem:$0x0];
	_ =	sdelay $0x2  }
0xbe: {  	s31 =	sshll.u32 s1, $0xD;
	s1 =	sshrl.u32 s1, $0x2  }
0xbf: {  	s3 =	sand.u32 $0x4000, s31;
	s1 =	sadd.s32 s1, s30  }
0xc0: {  	s0 =	sor.u32 s3, s0;
	s1 =	sshll.u32 s1, $0x11  }
0xc1: {  	s0 =	sor.u32 s1, s0  }
0xc2: {  	s0 =	sadd.s32 $0x8F2B, s0  }
0xc3: {  	[sflag:s0] =	ssyncadd.remote.s32 $0x1  }
0xc4: {  	_ =	sfence.sel $0xFFFF  }
0xc5: {  	[dreg:$0x0] =	wrdreg $0xFFFFFFFF;
	(pc) =	sbr.abs _section_cstart, $3  }
0xc6: {  	[dreg:$0x1] =	wrdreg $0xFFFFFFFF  }
0xc7: {  	_ =	task.clear_ibuf [dreg:s7], $0x2FFFF;
	_ =	strace $0x9FFFFFFF  }
0xc8: {  	(tm) =	ssettm $0x7FFFFFFF  }
0xc9: {  	_ =	shalt  }
tec
execute0_lowered:
.L_overlay_start_1:
0x0: {  	(tag) =	ssettag $0x1  }
0x1: {  	s3 =	rddreg [dreg:$0x0];
	s1 =	srdreg.scid  }
0x2: {  	s0 =	stileid.u32;
	s5 =	rddreg [dreg:$0x1];
	s2 =	simm.s32 $0x0  }
0x3: {  	s4 =	sand.u32 $0x1, s1;
	s6 =	sshll.u32 s0, $0x1;
	s1 =	rddreg [dreg:$0x2]  }
0x4: {  	[smem:$0x7FF] =	sst s2;
	s6 =	sor.u32 s4, s6;
	s4 =	ssub.s32 $0x2, s4  }
0x5: {  	_ =	strace $0x80000047;
	s7 =	sshll.u32 s6, $0x4;
	s31 =	sshrl.u32 s4, $0x1  }
0x6: {  	s6 =	sshll.u32 s6, $0xB;
	s8 =	sand.u32 $0x100, s7;
	s7 =	sadd.s32 s7, s3  }
0x7: {  	s9 =	ssub.s32 s4, s31;
	s5 =	sadd.s32 s5, s6;
	s8 =	sadd.s32 s8, s3  }
0x8: {  	s3 =	sadd.s32 $0x1600, s7;
	s6 =	smax.u32 s9, $0x1;
	s7 =	simm.s32 $0x1  }
0x9: {  	s9 =	simm.s32 $0x0;
	s4 =	sadd.s32 $0x1800, s8;
	s8 =	simm.s32 $0x880  }
.LBB2_1:
0xa: {  	[tilespmem:s2], [sflag:$0x1] =	stream.linear.gather [hbm4b:s3+s2], $0x80, $0x38;
	[tilespmem:$0x4880] =	vst v63  }
0xb: {  	_ =	swait.ge [sflag:s7], $0x80  }
0xc: {  	[sflag:s7] =	ssyncset.done $0x0  }
0xd: {  	s10 =	simm.s32 $0x80;
	[sflag:s7] =	ssyncadd.s32 $0xFFFFFF80  }
0xe: {  	[tilespmem:s10], [sflag:$0x1] =	stream.linear.gather [hbm4b:s4+s2], $0x800, $0x38;
	[tilespmem:$0x4880] =	vst v63  }
0xf: {  	_ =	swait.ge [sflag:s7], $0x800  }
0x10: {  	[sflag:s7] =	ssyncset.done $0x0  }
0x11: {  	[sflag:s7] =	ssyncadd.s32 $0xFFFFF800  }
0x12: {  	v0 =	vld [tilespmem:s10+$0x0]  }
0x13: {  	v1 =	vld [tilespmem:$0x0];
	_ =	sdelay $0x4  }
0x14: {  	v1 =	vadd.f32 v1, v0;
	_ =	sdelay $0x1  }
0x15: {  	[tilespmem:s8+$0x0] =	vst v1  }
0x16: {  	v1 =	vld [tilespmem:$0x10];
	_ =	sdelay $0x4  }
0x17: {  	v1 =	vadd.f32 v1, v0  }
0x18: {  	s13 =	sand.u32 $0x7F0, s2  }
0x19: {  	[tilespmem:s13+$0x1080] =	vst v1  }
0x1a: {  	v1 =	vld [tilespmem:$0x20];
	_ =	sdelay $0x4  }
0x1b: {  	v1 =	vadd.f32 v1, v0;
	_ =	sdelay $0x1  }
0x1c: {  	[tilespmem:s13+$0x1880] =	vst v1  }
0x1d: {  	v1 =	vld [tilespmem:$0x30];
	_ =	sdelay $0x4  }
0x1e: {  	v1 =	vadd.f32 v1, v0;
	_ =	sdelay $0x1  }
0x1f: {  	[tilespmem:s13+$0x2080] =	vst v1  }
0x20: {  	v1 =	vld [tilespmem:$0x40];
	_ =	sdelay $0x4  }
0x21: {  	v1 =	vadd.f32 v1, v0;
	_ =	sdelay $0x1  }
0x22: {  	[tilespmem:s13+$0x2880] =	vst v1  }
0x23: {  	v1 =	vld [tilespmem:$0x50];
	_ =	sdelay $0x4  }
0x24: {  	v1 =	vadd.f32 v1, v0;
	_ =	sdelay $0x1  }
0x25: {  	[tilespmem:s13+$0x3080] =	vst v1  }
0x26: {  	v1 =	vld [tilespmem:$0x60];
	_ =	sdelay $0x4  }
0x27: {  	v1 =	vadd.f32 v1, v0;
	_ =	sdelay $0x1  }
0x28: {  	[tilespmem:s13+$0x3880] =	vst v1  }
0x29: {  	v1 =	vld [tilespmem:$0x70];
	_ =	sdelay $0x4  }
0x2a: {  	s11 =	simm.s32 $0x10;
	s12 =	simm.s32 $0x880;
	v0 =	vadd.f32 v1, v0  }
.LBB2_2:
0x2b: {  	_ = 	snop  }
0x2c: {  	p0 =	sne.s32 s11, $0x7F0;
	s10 =	sadd.s32 $0x10, s10;
	s12 =	sadd.s32 $0x10, s12;
	[tilespmem:s13+$0x4080] =	vst v0  }
0x2d: {  	s13 =	smov.u32 s11;
	s11 =	sadd.s32 $0x10, s11;
	v0 =	vld [tilespmem:s10+$0x0]  }
0x2e: {  	v1 =	vld [tilespmem:$0x0];
	_ =	sdelay $0x4  }
0x2f: {  	v1 =	vadd.f32 v1, v0;
	_ =	sdelay $0x1  }
0x30: {  	[tilespmem:s12+$0x0] =	vst v1  }
0x31: {  	v1 =	vld [tilespmem:$0x10];
	_ =	sdelay $0x4  }
0x32: {  	v1 =	vadd.f32 v1, v0  }
0x33: {  	s13 =	sand.u32 $0x7F0, s13  }
0x34: {  	[tilespmem:s13+$0x1080] =	vst v1  }
0x35: {  	v1 =	vld [tilespmem:$0x20];
	_ =	sdelay $0x4  }
0x36: {  	v1 =	vadd.f32 v1, v0;
	_ =	sdelay $0x1  }
0x37: {  	[tilespmem:s13+$0x1880] =	vst v1  }
0x38: {  	v1 =	vld [tilespmem:$0x30];
	_ =	sdelay $0x4  }
0x39: {  	v1 =	vadd.f32 v1, v0;
	_ =	sdelay $0x1  }
0x3a: {  	[tilespmem:s13+$0x2080] =	vst v1  }
0x3b: {  	v1 =	vld [tilespmem:$0x40];
	_ =	sdelay $0x4  }
0x3c: {  	v1 =	vadd.f32 v1, v0;
	_ =	sdelay $0x1  }
0x3d: {  	[tilespmem:s13+$0x2880] =	vst v1  }
0x3e: {  	v1 =	vld [tilespmem:$0x50];
	_ =	sdelay $0x4  }
0x3f: {  	v1 =	vadd.f32 v1, v0;
	_ =	sdelay $0x1  }
0x40: {  	[tilespmem:s13+$0x3080] =	vst v1  }
0x41: {  	v1 =	vld [tilespmem:$0x60];
	_ =	sdelay $0x4  }
0x42: {  	v1 =	vadd.f32 v1, v0;
	_ =	sdelay $0x1  }
0x43: {  	[tilespmem:s13+$0x3880] =	vst v1  }
0x44: {  	v1 =	vld [tilespmem:$0x70]  }
.Ltmp0:
0x45: {  	(pc) =	sbr.rel @p0 .LBB2_2-.Ltmp0, $2  }
0x46: {  	_ =	sdelay $0x2  }
0x47: {  	v0 =	vadd.f32 v1, v0  }
0x48: {  	s9 =	sadd.s32 $0x1, s9  }
0x49: {  	p0 =	sne.s32 s9, s6  }
.Ltmp1:
0x4a: {  	[tilespmem:s13+$0x4080] =	vst v0;
	(pc) =	sbr.rel @p0 .LBB2_1-.Ltmp1, $4  }
0x4b: {  	[hbm4b:s5+s2] =	stream.linear.scatter [tilespmem:s8], [sflag:$0x1], $0x4000, $0x38;
	[tilespmem:$0x4880] =	vst v63  }
0x4c: {  	_ =	swait.ge [sflag:s7], $0x4000  }
0x4d: {  	[sflag:s7] =	ssyncset.done $0x0  }
0x4e: {  	[sflag:s7] =	ssyncadd.s32 $0xFFFFC000  }
0x4f: {  	_ =	sfence.sel $0x180000  }
0x50: {  	[bflag:$0x0] =	sbarrier.arrive $0xFFFF  }
0x51: {  	p0 =	sne.s32 s0, $0x0;
	_ =	strace $0x90000047  }
0x52: {  	s0 =	sadd.s32 @!p0 $0x100000, s1;
	[bflag:$0x2] =	sbarrier.arrive $0xFFFF  }
0x53: {  	[sflag:s0] =	ssyncadd.tile.s32 @!p0 $0x1;
	_ =	shalt  }
.Lfunc_end2:
_tile_overlayer_lowered:
.L_overlay_start_2:
0x54: {  	(tag) =	ssettag $0x2  }
0x55: {  	s0 =	rddreg [dreg:$0x0];
	s2 =	stileid.u32  }
0x56: {  	s1 =	rddreg [dreg:$0x1];
	p0 =	sne.s32 s2, $0x0  }
0x57: {  	s3 =	rddreg [dreg:$0x2];
	[bflag:$0x3] =	sbarrier.arrive $0xFFFF;
	s2 =	simm.s32 @!p0 $0x1C01  }
0x58: {  	[timem:s3], [sflag:s2] =	dma.local @!p0 [hbm:s0], s1  }
0x59: {  	s0 =	simm.s32 @!p0 $0x1  }
0x5a: {  	_ =	swait.ge @!p0 [sflag:s0], s1  }
0x5b: {  	s1 =	ssub.s32 @!p0 $0x0, s1;
	[sflag:s0] =	ssyncset.done @!p0 $0x0  }
0x5c: {  	[sflag:s0] =	ssyncadd.s32 @!p0 s1  }
0x5d: {  	[bflag:$0x3] =	sbarrier.arrive $0xFFFF  }
0x5e: {  	_ =	shalt  }

</sc_bundles>
